<compile_context>
chip_gen: v7x
topology: tpu7x:2x2x1
jax: 0.10.2.dev20260603
libtpu: 0.0.44.dev20260713+nightly
codegen_flags: <defaults>
</compile_context>

<pallas_src>
import functools
import struct

import jax
import jax.numpy as jnp
from jax import lax
from jax.experimental import pallas as pl
from jax.experimental.pallas import tpu as pltpu
from jax.experimental.pallas import tpu_sc as plsc

FEAT = 256
NC = 80
N = 20000
NPAD = 20480
HID = 256
CAND = 1000
CPAD = 1024
IOU_TH = 0.5
MAXDET = 100
NEG = -1e9
NEG_I = struct.unpack("<i", struct.pack("<f", NEG))[0]

ROWS = 1024
GRID = NPAD // ROWS
OROW = ROWS // 128


def _heads_body(feats, anchors_t, wc1, bc1, wc2t, bc2, wb1, bb1, wb2t, bb2,
                sf_out, si_out, x1_out, y1_out, x2_out, y2_out, lbl_out):
    i = pl.program_id(0)
    f = feats[...]
    dimnum = (((0,), (1,)), ((), ()))
    ht = jnp.maximum(
        lax.dot_general(wc1[...], f, dimnum,
                        preferred_element_type=jnp.float32) + bc1[...], 0.0)
    clst = (jnp.dot(wc2t[...], ht, preferred_element_type=jnp.float32)
            + bc2[...])
    mx = jnp.max(clst, axis=0, keepdims=True)
    iot = lax.broadcasted_iota(jnp.int32, (NC, ROWS), 0)
    lbl = jnp.min(jnp.where(clst == mx, iot, NC), axis=0, keepdims=True)
    score = jax.nn.sigmoid(mx)

    h2t = jnp.maximum(
        lax.dot_general(wb1[...], f, dimnum,
                        preferred_element_type=jnp.float32) + bb1[...], 0.0)
    blt = (jnp.dot(wb2t[...], h2t, preferred_element_type=jnp.float32)
           + bb2[...])
    a = anchors_t[...]
    dx = jnp.tanh(blt[0:1, :])
    dy = jnp.tanh(blt[1:2, :])
    dw = jnp.tanh(blt[2:3, :])
    dh = jnp.tanh(blt[3:4, :])
    cx = a[0:1, :] + dx * a[2:3, :]
    cy = a[1:2, :] + dy * a[3:4, :]
    w = a[2:3, :] * jnp.exp(dw)
    hh = a[3:4, :] * jnp.exp(dh)

    rs = lambda v: jnp.reshape(v, (OROW, 128))
    row = (i * ROWS
           + lax.broadcasted_iota(jnp.int32, (OROW, 128), 0) * 128
           + lax.broadcasted_iota(jnp.int32, (OROW, 128), 1))
    valid = row < N
    sf = jnp.where(valid, rs(score), NEG)
    sf_out[...] = sf
    si_out[...] = lax.bitcast_convert_type(sf, jnp.int32)
    x1_out[...] = jnp.where(valid, rs(cx - 0.5 * w), 0.0)
    y1_out[...] = jnp.where(valid, rs(cy - 0.5 * hh), 0.0)
    x2_out[...] = jnp.where(valid, rs(cx + 0.5 * w), 0.0)
    y2_out[...] = jnp.where(valid, rs(cy + 0.5 * hh), 0.0)
    lbl_out[...] = jnp.where(valid, rs(lbl), 0)


def _run_heads(feats, anchors, Wc1, bc1, Wc2, bc2, Wb1, bb1, Wb2, bb2):
    grid_f = jax.ShapeDtypeStruct((NPAD // 128, 128), jnp.float32)
    grid_i = jax.ShapeDtypeStruct((NPAD // 128, 128), jnp.int32)
    row_spec = pl.BlockSpec((ROWS, FEAT), lambda i: (i, 0))
    anc_spec = pl.BlockSpec((4, ROWS), lambda i: (0, i))
    full = lambda shape: pl.BlockSpec(shape, lambda i: (0, 0))
    out_spec = pl.BlockSpec((OROW, 128), lambda i: (i, 0))
    return pl.pallas_call(
        _heads_body,
        grid=(GRID,),
        in_specs=[
            row_spec, anc_spec,
            full((FEAT, HID)), full((HID, 1)),
            full((NC, HID)), full((NC, 1)),
            full((FEAT, HID)), full((HID, 1)),
            full((4, HID)), full((4, 1)),
        ],
        out_specs=[out_spec] * 7,
        out_shape=[grid_f, grid_i, grid_f, grid_f, grid_f, grid_f, grid_i],
    )(feats, anchors.T, Wc1, bc1.reshape(HID, 1), Wc2.T, bc2.reshape(NC, 1),
      Wb1, bb1.reshape(HID, 1), Wb2.T, bb2.reshape(4, 1))


NTILE = 32
CHUNK = NPAD // NTILE
VEC = 16
NVEC = CHUNK // VEC
PARTW = CHUNK + VEC
ROWS2 = NPAD // 128
FONE = 0x3F800000


def _thresh_body(sref, tinfo_out, roweq_out):
    s = sref[...]

    def bs(_, lohi):
        lo, hi = lohi
        mid = lo + ((hi - lo + 1) >> 1)
        cnt = jnp.sum((s >= mid).astype(jnp.int32))
        take = cnt >= CAND
        return jnp.where(take, mid, lo), jnp.where(take, hi, mid - 1)

    lo, _ = lax.fori_loop(0, 31, bs, (jnp.int32(0), jnp.int32(FONE)))
    t = lo
    n_gt = jnp.sum((s > t).astype(jnp.int32))
    need = CAND - n_gt
    eq = (s == t).astype(jnp.int32)
    rq = jnp.sum(eq, axis=1, keepdims=True)
    rq = jnp.concatenate([rq, jnp.zeros((256 - ROWS2, 1), jnp.int32)], axis=0)
    roweq_out[...] = jnp.reshape(rq, (256,))
    io = lax.broadcasted_iota(jnp.int32, (16,), 0)
    tinfo_out[...] = jnp.where(io == 0, t,
                     jnp.where(io == 1, n_gt,
                     jnp.where(io == 2, need, 0)))


def _run_thresh(s_int):
    return pl.pallas_call(
        _thresh_body,
        out_shape=[jax.ShapeDtypeStruct((16,), jnp.int32),
                   jax.ShapeDtypeStruct((256,), jnp.int32)],
    )(s_int)


def _sc_wid():
    return lax.axis_index("s") * 2 + lax.axis_index("c")


def _compact_body(sint_hbm, tinfo_hbm, roweq_hbm, parts_hbm, counts_hbm,
                  sv, tv, rv, pbuf, cbuf):
    wid = _sc_wid()
    base = wid * CHUNK
    pltpu.sync_copy(sint_hbm.at[pl.ds(base, CHUNK)], sv)
    pltpu.sync_copy(tinfo_hbm, tv)
    pltpu.sync_copy(roweq_hbm, rv)
    tvec = tv[...]
    t = tvec[0]
    need = tvec[2]
    lanes = lax.broadcasted_iota(jnp.int32, (VEC,), 0)

    def eqb_step(k, acc):
        v = rv[pl.ds(k * VEC, VEC)]
        m = (lanes + k * VEC) < (5 * wid)
        return acc + jnp.where(m, v, 0)

    eqb0 = jnp.sum(lax.fori_loop(0, ROWS2 // VEC, eqb_step,
                                 jnp.zeros((VEC,), jnp.int32)))

    def step(k, carry):
        pos, eqb = carry
        v = sv[pl.ds(k * VEC, VEC)]
        gt = v > t
        eq = v == t
        ecum = plsc.cumsum(jnp.where(eq, 1, 0))
        sel = gt | (eq & ((eqb + ecum) <= need))
        idxv = base + k * VEC + lanes
        plsc.store_compressed(pbuf.at[pl.ds(pos, VEC)], idxv, mask=sel)
        pos = pos + jnp.max(plsc.all_reduce_population_count(sel))
        return pos, eqb + jnp.max(ecum)

    count, _ = lax.fori_loop(0, NVEC, step, (jnp.int32(0), eqb0))
    cbuf[...] = jnp.full((VEC,), 0, jnp.int32) + count
    pltpu.sync_copy(cbuf, counts_hbm.at[pl.ds(wid * VEC, VEC)])
    pltpu.sync_copy(pbuf, parts_hbm.at[pl.ds(wid * PARTW, PARTW)])


def _run_compact(s_int, tinfo, roweq):
    mesh = plsc.VectorSubcoreMesh(core_axis_name="c", subcore_axis_name="s",
                                  num_cores=2, num_subcores=16)
    f = pl.kernel(
        _compact_body,
        out_type=[jax.ShapeDtypeStruct((NTILE * PARTW,), jnp.int32),
                  jax.ShapeDtypeStruct((NTILE * VEC,), jnp.int32)],
        mesh=mesh,
        compiler_params=pltpu.CompilerParams(needs_layout_passes=False),
        scratch_types=[pltpu.VMEM((CHUNK,), jnp.int32),
                       pltpu.VMEM((VEC,), jnp.int32),
                       pltpu.VMEM((256,), jnp.int32),
                       pltpu.VMEM((PARTW,), jnp.int32),
                       pltpu.VMEM((VEC,), jnp.int32)],
    )
    return f(s_int, tinfo, roweq)


def _merge_body(parts_hbm, counts_hbm, s_hbm, x1_hbm, y1_hbm, x2_hbm, y2_hbm,
                lbl_hbm, cs_out, cx1_out, cy1_out, cx2_out, cy2_out, clbl_out,
                cntv, srcv, gidxv, fb0, fb1, fb2, fb3, fb4, fb5, sem):
    wid = _sc_wid()
    sb = wid * 32
    pltpu.sync_copy(counts_hbm, cntv)
    lanes = lax.broadcasted_iota(jnp.int32, (VEC,), 0)
    jv1 = sb + lanes
    jv2 = sb + VEC + lanes

    def pstep(p, carry):
        pref, a1, a2, pb1, pb2 = carry
        c_p = cntv[pl.ds(p * VEC, VEC)][0]
        c1 = pref <= jv1
        c2 = pref <= jv2
        a1 = a1 + jnp.where(c1, 1, 0)
        a2 = a2 + jnp.where(c2, 1, 0)
        pb1 = jnp.where(c1, pref, pb1)
        pb2 = jnp.where(c2, pref, pb2)
        return pref + c_p, a1, a2, pb1, pb2

    zeros = jnp.zeros((VEC,), jnp.int32)
    _, a1, a2, pb1, pb2 = lax.fori_loop(
        0, NTILE, pstep, (jnp.int32(0), zeros, zeros, zeros, zeros))
    src1 = (a1 - 1) * PARTW + (jv1 - pb1)
    src2 = (a2 - 1) * PARTW + (jv2 - pb2)
    src1 = jnp.where(jv1 < CAND, src1, 0)
    src2 = jnp.where(jv2 < CAND, src2, 0)
    srcv[pl.ds(0, VEC)] = src1
    srcv[pl.ds(VEC, VEC)] = src2
    pltpu.async_copy(parts_hbm.at[srcv], gidxv, sem).wait()
    g1 = jnp.where(jv1 < CAND, gidxv[pl.ds(0, VEC)], N)
    g2 = jnp.where(jv2 < CAND, gidxv[pl.ds(VEC, VEC)], N)
    gidxv[pl.ds(0, VEC)] = g1
    gidxv[pl.ds(VEC, VEC)] = g2
    gathers = [
        pltpu.async_copy(s_hbm.at[gidxv], fb0, sem),
        pltpu.async_copy(x1_hbm.at[gidxv], fb1, sem),
        pltpu.async_copy(y1_hbm.at[gidxv], fb2, sem),
        pltpu.async_copy(x2_hbm.at[gidxv], fb3, sem),
        pltpu.async_copy(y2_hbm.at[gidxv], fb4, sem),
        pltpu.async_copy(lbl_hbm.at[gidxv], fb5, sem),
    ]
    for g in gathers:
        g.wait()
    writes = [
        pltpu.async_copy(fb0, cs_out.at[pl.ds(sb, 32)], sem),
        pltpu.async_copy(fb1, cx1_out.at[pl.ds(sb, 32)], sem),
        pltpu.async_copy(fb2, cy1_out.at[pl.ds(sb, 32)], sem),
        pltpu.async_copy(fb3, cx2_out.at[pl.ds(sb, 32)], sem),
        pltpu.async_copy(fb4, cy2_out.at[pl.ds(sb, 32)], sem),
        pltpu.async_copy(fb5, clbl_out.at[pl.ds(sb, 32)], sem),
    ]
    for wdesc in writes:
        wdesc.wait()


def _run_merge(parts, counts, s, x1, y1, x2, y2, lbl):
    mesh = plsc.VectorSubcoreMesh(core_axis_name="c", subcore_axis_name="s",
                                  num_cores=2, num_subcores=16)
    cf = jax.ShapeDtypeStruct((CPAD,), jnp.float32)
    ci = jax.ShapeDtypeStruct((CPAD,), jnp.int32)
    fb = lambda dt: pltpu.VMEM((32,), dt)
    f = pl.kernel(
        _merge_body,
        out_type=[cf, cf, cf, cf, cf, ci],
        mesh=mesh,
        scratch_types=[pltpu.VMEM((NTILE * VEC,), jnp.int32),
                       pltpu.VMEM((32,), jnp.int32),
                       pltpu.VMEM((32,), jnp.int32),
                       fb(jnp.float32), fb(jnp.float32), fb(jnp.float32),
                       fb(jnp.float32), fb(jnp.float32), fb(jnp.int32),
                       pltpu.SemaphoreType.DMA],
    )
    return f(parts, counts, s, x1, y1, x2, y2, lbl)


def _nms_body(x1r, y1r, x2r, y2r, sr, x1s, y1s, x2s, y2s, css, lbls, out):
    x1 = x1r[...]
    y1 = y1r[...]
    x2 = x2r[...]
    y2 = y2r[...]
    s0 = sr[...]
    areas = jnp.maximum(x2 - x1, 0.0) * jnp.maximum(y2 - y1, 0.0)
    pos = (lax.broadcasted_iota(jnp.int32, (8, 128), 0) * 128
           + lax.broadcasted_iota(jnp.int32, (8, 128), 1))

    posf = pos.astype(jnp.float32)

    def body(t, carry):
        s, i0 = carry
        m = jnp.max(s)
        i_raw = jnp.min(jnp.where(s == m, posf, jnp.float32(2048.0)))
        live = m > NEG
        i = jnp.where(live, i_raw.astype(jnp.int32), i0)
        i0 = jnp.where(t == 0, i, i0)
        bx1 = x1s[i]
        by1 = y1s[i]
        bx2 = x2s[i]
        by2 = y2s[i]
        ix1 = jnp.maximum(bx1, x1)
        iy1 = jnp.maximum(by1, y1)
        ix2 = jnp.minimum(bx2, x2)
        iy2 = jnp.minimum(by2, y2)
        inter = jnp.maximum(ix2 - ix1, 0.0) * jnp.maximum(iy2 - iy1, 0.0)
        area_b = jnp.maximum(bx2 - bx1, 0.0) * jnp.maximum(by2 - by1, 0.0)
        iou = inter / (area_b + areas - inter + 1e-9)
        s = jnp.where(iou > IOU_TH, NEG, s)
        out[t, 0] = bx1
        out[t, 1] = by1
        out[t, 2] = bx2
        out[t, 3] = by2
        out[t, 4] = m
        out[t, 5] = lbls[i].astype(jnp.float32)
        return s, i0

    lax.fori_loop(0, MAXDET, body, (s0, jnp.int32(0)))


def _run_nms(cx1, cy1, cx2, cy2, cs, clbl):
    vspec = pl.BlockSpec((8, 128), lambda: (0, 0))
    sspec = pl.BlockSpec(memory_space=pltpu.SMEM)
    out = pl.pallas_call(
        _nms_body,
        in_specs=[vspec] * 5 + [sspec] * 6,
        out_specs=pl.BlockSpec(memory_space=pltpu.SMEM),
        out_shape=jax.ShapeDtypeStruct((MAXDET, 8), jnp.float32),
    )(cx1.reshape(8, 128), cy1.reshape(8, 128), cx2.reshape(8, 128),
      cy2.reshape(8, 128), cs.reshape(8, 128),
      cx1, cy1, cx2, cy2, cs, clbl)
    det = out[:, 0:5]
    det_l = out[:, 5].astype(jnp.int32)
    return det, det_l


def kernel(feats, anchors, Wc1, bc1, Wc2, bc2, Wb1, bb1, Wb2, bb2):
    sf2d, si2d, x1, y1, x2, y2, lbl = _run_heads(
        feats, anchors, Wc1, bc1, Wc2, bc2, Wb1, bb1, Wb2, bb2)
    tinfo, roweq = _run_thresh(si2d)
    parts, counts = _run_compact(si2d.reshape(NPAD), tinfo, roweq)
    cs, cx1, cy1, cx2, cy2, clbl = _run_merge(
        parts, counts, sf2d.reshape(NPAD), x1.reshape(NPAD), y1.reshape(NPAD),
        x2.reshape(NPAD), y2.reshape(NPAD), lbl.reshape(NPAD))
    return _run_nms(cx1, cy1, cx2, cy2, cs, clbl)

# --- scband reference (transcript-rebuilt; emitter-appended) ---
"""Pipeline reference for scband-dfd-76055280877843 (READ-ONLY COPY).

The authoritative reference and input builder live on the scoring server;
editing this copy changes nothing except your own understanding.
"""

import jax, jax.numpy as jnp
import numpy as np

FEAT = 256
NC = 80
N = 20000
HID = 256
DXY = 1.0
DWH = 1.0
CAND = 1000
IOU_TH = 0.5
MAXDET = 100
BIAS_CLS = -4.59511985013459  # -log((1-0.01)/0.01)


def _decode(anchors, box_logits):
    # anchors in cxcywh format; bounded deltas via tanh per delta_range_xy/wh
    dxy = DXY * jnp.tanh(box_logits[:, :2])
    dwh = DWH * jnp.tanh(box_logits[:, 2:])
    cxy = anchors[:, :2] + dxy * anchors[:, 2:]
    wh = anchors[:, 2:] * jnp.exp(dwh)
    return jnp.concatenate([cxy - 0.5 * wh, cxy + 0.5 * wh], axis=1)


def _iou_one(b, boxes):
    x1 = jnp.maximum(b[0], boxes[:, 0])
    y1 = jnp.maximum(b[1], boxes[:, 1])
    x2 = jnp.minimum(b[2], boxes[:, 2])
    y2 = jnp.minimum(b[3], boxes[:, 3])
    inter = jnp.clip(x2 - x1, 0.0) * jnp.clip(y2 - y1, 0.0)
    area_b = jnp.clip(b[2] - b[0], 0.0) * jnp.clip(b[3] - b[1], 0.0)
    areas = jnp.clip(boxes[:, 2] - boxes[:, 0], 0.0) * jnp.clip(boxes[:, 3] - boxes[:, 1], 0.0)
    return inter / (area_b + areas - inter + 1e-9)


def _nms(boxes, scores, labels):
    s = scores
    det_b, det_s, det_l = [], [], []
    for _ in range(MAXDET):
        i = jnp.argmax(s)
        b = boxes[i]
        det_b.append(b)
        det_s.append(s[i])
        det_l.append(labels[i])
        ious = _iou_one(b, boxes)
        s = jnp.where(ious > IOU_TH, -1e9, s)
    return jnp.stack(det_b), jnp.stack(det_s), jnp.stack(det_l)


def setup_inputs(seed: int = 0) -> dict:
    key = jax.random.key(seed)
    ks = jax.random.split(key, 10)
    feats = jax.random.normal(ks[0], (N, FEAT), dtype=jnp.float32)
    centers = jax.random.uniform(ks[1], (N, 2), dtype=jnp.float32)
    wh = jax.random.uniform(ks[2], (N, 2), minval=0.02, maxval=0.3, dtype=jnp.float32)
    anchors = jnp.concatenate([centers, wh], axis=1)
    sc = 1.0 / np.sqrt(FEAT)
    Wc1 = jax.random.normal(ks[3], (FEAT, HID), dtype=jnp.float32) * sc
    bc1 = jnp.zeros((HID,), dtype=jnp.float32)
    Wc2 = jax.random.normal(ks[4], (HID, NC), dtype=jnp.float32) * (1.0 / np.sqrt(HID))
    bc2 = jnp.full((NC,), BIAS_CLS, dtype=jnp.float32)
    Wb1 = jax.random.normal(ks[5], (FEAT, HID), dtype=jnp.float32) * sc
    bb1 = jnp.zeros((HID,), dtype=jnp.float32)
    Wb2 = jax.random.normal(ks[6], (HID, 4), dtype=jnp.float32) * (1.0 / np.sqrt(HID))
    bb2 = jnp.zeros((4,), dtype=jnp.float32)
    return {"feats": feats, "anchors": anchors, "Wc1": Wc1, "bc1": bc1, "Wc2": Wc2, "bc2": bc2, "Wb1": Wb1, "bb1": bb1, "Wb2": Wb2, "bb2": bb2}


def reference(feats, anchors, Wc1, bc1, Wc2, bc2, Wb1, bb1, Wb2, bb2):
    h = jax.nn.relu(feats @ Wc1 + bc1)
    cls_logits = h @ Wc2 + bc2
    h2 = jax.nn.relu(feats @ Wb1 + bb1)
    box_logits = h2 @ Wb2 + bb2
    boxes = _decode(anchors, box_logits)
    probs = jax.nn.sigmoid(cls_logits)
    best_scores = jnp.max(probs, axis=1)
    best_labels = jnp.argmax(probs, axis=1)
    top_s, top_i = jax.lax.top_k(best_scores, CAND)
    det_b, det_s, det_l = _nms(boxes[top_i], top_s, best_labels[top_i])
    det = jnp.concatenate([det_b, det_s[:, None]], axis=1)
    return det, det_l

if __name__ == "__main__":
    import jax
    _d = setup_inputs()
    print(jax.jit(kernel)(*tuple(_d.values())))

</pallas_src>

<mosaic_0001>
#map = affine_map<(d0, d1) -> (0)>
module attributes {stable_mosaic.version = 14 : i64} {
  func.func @_merge_body(%arg0: i32, %arg1: i32, %arg2: memref<20992xi32, #tpu.memory_space<hbm>>, %arg3: memref<512xi32, #tpu.memory_space<hbm>>, %arg4: memref<20480xf32, #tpu.memory_space<hbm>>, %arg5: memref<20480xf32, #tpu.memory_space<hbm>>, %arg6: memref<20480xf32, #tpu.memory_space<hbm>>, %arg7: memref<20480xf32, #tpu.memory_space<hbm>>, %arg8: memref<20480xf32, #tpu.memory_space<hbm>>, %arg9: memref<20480xi32, #tpu.memory_space<hbm>>, %arg10: memref<1024xf32, #tpu.memory_space<hbm>>, %arg11: memref<1024xf32, #tpu.memory_space<hbm>>, %arg12: memref<1024xf32, #tpu.memory_space<hbm>>, %arg13: memref<1024xf32, #tpu.memory_space<hbm>>, %arg14: memref<1024xf32, #tpu.memory_space<hbm>>, %arg15: memref<1024xi32, #tpu.memory_space<hbm>>, %arg16: memref<512xi32, #tpu.memory_space<vmem>>, %arg17: memref<32xi32, #tpu.memory_space<vmem>>, %arg18: memref<32xi32, #tpu.memory_space<vmem>>, %arg19: memref<32xf32, #tpu.memory_space<vmem>>, %arg20: memref<32xf32, #tpu.memory_space<vmem>>, %arg21: memref<32xf32, #tpu.memory_space<vmem>>, %arg22: memref<32xf32, #tpu.memory_space<vmem>>, %arg23: memref<32xf32, #tpu.memory_space<vmem>>, %arg24: memref<32xi32, #tpu.memory_space<vmem>>, %arg25: memref<!tpu.dma_semaphore, #tpu.memory_space<semaphore_mem>>) attributes {dimension_semantics = [#tpu.dimension_semantics<core_parallel>, #tpu.dimension_semantics<subcore_parallel>], iteration_bounds = array<i64: 2, 16>, scalar_prefetch = 0 : i64, scratch_operands = 10 : i64, tpu.core_type = #tpu.core_type<sc_vector_subcore>, window_params = [{transform_indices = #map}, {transform_indices = #map}, {transform_indices = #map}, {transform_indices = #map}, {transform_indices = #map}, {transform_indices = #map}, {transform_indices = #map}, {transform_indices = #map}, {transform_indices = #map}, {transform_indices = #map}, {transform_indices = #map}, {transform_indices = #map}, {transform_indices = #map}, {transform_indices = #map}]} {
    %mul3A = arith.constant 2 : i32
    %mul3A_0 = arith.muli %arg1, %mul3A : i32
    %add3A = arith.addi %mul3A_0, %arg0 : i32
    %mul3A_1 = arith.constant 32 : i32
    %mul3A_2 = arith.muli %add3A, %mul3A_1 : i32
    "tpu.region"() ({
      %run_scoped3A = tpu.sem_alloc : memref<!tpu.dma_semaphore, #tpu.memory_space<semaphore_mem>>
      tpu.enqueue_dma source(%arg3 : memref<512xi32, #tpu.memory_space<hbm>>) target(%arg16 : memref<512xi32, #tpu.memory_space<vmem>>) target_semaphore(%run_scoped3A : memref<!tpu.dma_semaphore, #tpu.memory_space<semaphore_mem>>)
      tpu.wait_dma2 semaphore(%run_scoped3A : memref<!tpu.dma_semaphore, #tpu.memory_space<semaphore_mem>>) src(%arg3 : memref<512xi32, #tpu.memory_space<hbm>>) dst(%arg16 : memref<512xi32, #tpu.memory_space<vmem>>)
      tpu.yield
    }) : () -> ()
    %iota3A = tpu.iota {dimensions = array<i32: 0>} : vector<16xi32>
    %add3A_3 = vector.broadcast %mul3A_2 : i32 to vector<16xi32>
    %add3A_4 = arith.addi %add3A_3, %iota3A : vector<16xi32>
    %add3A_5 = arith.constant 16 : i32
    %add3A_6 = arith.addi %mul3A_2, %add3A_5 : i32
    %add3A_7 = vector.broadcast %add3A_6 : i32 to vector<16xi32>
    %add3A_8 = arith.addi %add3A_7, %iota3A : vector<16xi32>
    %broadcast_in_dim3A = arith.constant 0 : i32
    %broadcast_in_dim3A_9 = vector.broadcast %broadcast_in_dim3A : i32 to vector<16xi32>
    %scan3A = arith.constant 0 : i32
    %scan3A_10 = arith.constant 0 : i32
    %scan3A_11 = arith.constant 32 : i32
    %scan3A_12 = arith.addi %scan3A_10, %scan3A_11 : i32
    %scan3A_13 = arith.constant 1 : i32
    %scan3A_14:5 = scf.for %scan3A_122 = %scan3A_10 to %scan3A_12 step %scan3A_13 iter_args(%scan3A_123 = %scan3A, %scan3A_124 = %broadcast_in_dim3A_9, %scan3A_125 = %broadcast_in_dim3A_9, %scan3A_126 = %broadcast_in_dim3A_9, %scan3A_127 = %broadcast_in_dim3A_9) -> (i32, vector<16xi32>, vector<16xi32>, vector<16xi32>, vector<16xi32>)  : i32 {
      %mul3A_128 = arith.constant 16 : i32
      %mul3A_129 = arith.muli %scan3A_122, %mul3A_128 : i32
      %get3A_130 = arith.index_cast %mul3A_129 : i32 to index
      %get3A_131 = tpu.vector_load %arg16[%get3A_130] {strides = array<i32>} : memref<512xi32, #tpu.memory_space<vmem>>, vector<16xi32>,
      %get3A_132 = vector.shape_cast %get3A_131 : vector<16xi32> to vector<16xi32>
      %slice3A = vector.extract_strided_slice %get3A_132 {offsets = [0], sizes = [1], strides = [1]} : vector<16xi32> to vector<1xi32>
      %squeeze3A = vector.extract %slice3A[0] : i32 from vector<1xi32>
      %le3A = vector.broadcast %scan3A_123 : i32 to vector<16xi32>
      %le3A_133 = arith.cmpi sle, %le3A, %add3A_4 : vector<16xi32>
      %le3A_134 = vector.broadcast %scan3A_123 : i32 to vector<16xi32>
      %le3A_135 = arith.cmpi sle, %le3A_134, %add3A_8 : vector<16xi32>
      %jit3A_136 = arith.constant 1 : i32
      %jit3A_137 = arith.constant 0 : i32
      %broadcast_in_dim3A_138 = vector.broadcast %jit3A_136 : i32 to vector<16xi32>
      %broadcast_in_dim3A_139 = vector.broadcast %jit3A_137 : i32 to vector<16xi32>
      %select_n3A_140 = arith.select %le3A_133, %broadcast_in_dim3A_138, %broadcast_in_dim3A_139 : vector<16xi1>, vector<16xi32>
      %add3A_141 = arith.addi %scan3A_124, %select_n3A_140 : vector<16xi32>
      %jit3A_142 = arith.constant 1 : i32
      %jit3A_143 = arith.constant 0 : i32
      %broadcast_in_dim3A_144 = vector.broadcast %jit3A_142 : i32 to vector<16xi32>
      %broadcast_in_dim3A_145 = vector.broadcast %jit3A_143 : i32 to vector<16xi32>
      %select_n3A_146 = arith.select %le3A_135, %broadcast_in_dim3A_144, %broadcast_in_dim3A_145 : vector<16xi1>, vector<16xi32>
      %add3A_147 = arith.addi %scan3A_125, %select_n3A_146 : vector<16xi32>
      %broadcast_in_dim3A_148 = vector.broadcast %scan3A_123 : i32 to vector<16xi32>
      %select_n3A_149 = arith.select %le3A_133, %broadcast_in_dim3A_148, %scan3A_126 : vector<16xi1>, vector<16xi32>
      %broadcast_in_dim3A_150 = vector.broadcast %scan3A_123 : i32 to vector<16xi32>
      %select_n3A_151 = arith.select %le3A_135, %broadcast_in_dim3A_150, %scan3A_127 : vector<16xi1>, vector<16xi32>
      %add3A_152 = arith.addi %scan3A_123, %squeeze3A : i32
      scf.yield %add3A_152, %add3A_141, %add3A_147, %select_n3A_149, %select_n3A_151 : i32, vector<16xi32>, vector<16xi32>, vector<16xi32>, vector<16xi32>
    }
    %scan3A_15 = arith.constant 32 : i32
    %sub3A = arith.constant 1 : i32
    %sub3A_16 = vector.broadcast %sub3A : i32 to vector<16xi32>
    %sub3A_17 = arith.subi %scan3A_14#1, %sub3A_16 : vector<16xi32>
    %mul3A_18 = arith.constant 656 : i32
    %mul3A_19 = vector.broadcast %mul3A_18 : i32 to vector<16xi32>
    %mul3A_20 = arith.muli %sub3A_17, %mul3A_19 : vector<16xi32>
    %sub3A_21 = arith.subi %add3A_4, %scan3A_14#3 : vector<16xi32>
    %add3A_22 = arith.addi %mul3A_20, %sub3A_21 : vector<16xi32>
    %sub3A_23 = arith.constant 1 : i32
    %sub3A_24 = vector.broadcast %sub3A_23 : i32 to vector<16xi32>
    %sub3A_25 = arith.subi %scan3A_14#2, %sub3A_24 : vector<16xi32>
    %mul3A_26 = arith.constant 656 : i32
    %mul3A_27 = vector.broadcast %mul3A_26 : i32 to vector<16xi32>
    %mul3A_28 = arith.muli %sub3A_25, %mul3A_27 : vector<16xi32>
    %sub3A_29 = arith.subi %add3A_8, %scan3A_14#4 : vector<16xi32>
    %add3A_30 = arith.addi %mul3A_28, %sub3A_29 : vector<16xi32>
    %lt3A = arith.constant 1000 : i32
    %lt3A_31 = vector.broadcast %lt3A : i32 to vector<16xi32>
    %lt3A_32 = arith.cmpi slt, %add3A_4, %lt3A_31 : vector<16xi32>
    %jit3A = arith.constant 0 : i32
    %broadcast_in_dim3A_33 = vector.broadcast %jit3A : i32 to vector<16xi32>
    %select_n3A = arith.select %lt3A_32, %add3A_22, %broadcast_in_dim3A_33 : vector<16xi1>, vector<16xi32>
    %lt3A_34 = arith.constant 1000 : i32
    %lt3A_35 = vector.broadcast %lt3A_34 : i32 to vector<16xi32>
    %lt3A_36 = arith.cmpi slt, %add3A_8, %lt3A_35 : vector<16xi32>
    %jit3A_37 = arith.constant 0 : i32
    %broadcast_in_dim3A_38 = vector.broadcast %jit3A_37 : i32 to vector<16xi32>
    %select_n3A_39 = arith.select %lt3A_36, %add3A_30, %broadcast_in_dim3A_38 : vector<16xi1>, vector<16xi32>
    %swap3A = arith.constant 0 : index
    %swap3A_40 = tpu.vector_load %arg17[%swap3A] {strides = array<i32>} : memref<32xi32, #tpu.memory_space<vmem>>, vector<16xi32>,
    %swap3A_41 = vector.shape_cast %swap3A_40 : vector<16xi32> to vector<16xi32>
    %swap3A_42 = vector.shape_cast %select_n3A : vector<16xi32> to vector<16xi32>
    tpu.vector_store %arg17[%swap3A], %swap3A_42 {strides = array<i32>} : memref<32xi32, #tpu.memory_space<vmem>>, vector<16xi32>,
    %swap3A_43 = arith.constant 16 : index
    %swap3A_44 = tpu.vector_load %arg17[%swap3A_43] {strides = array<i32>} : memref<32xi32, #tpu.memory_space<vmem>>, vector<16xi32>,
    %swap3A_45 = vector.shape_cast %swap3A_44 : vector<16xi32> to vector<16xi32>
    %swap3A_46 = vector.shape_cast %select_n3A_39 : vector<16xi32> to vector<16xi32>
    tpu.vector_store %arg17[%swap3A_43], %swap3A_46 {strides = array<i32>} : memref<32xi32, #tpu.memory_space<vmem>>, vector<16xi32>,
    %dma_start3A = arith.constant 0 : i32
    %dma_start3A_47 = tpu.memref_slice %arg2[%dma_start3A] : memref<20992xi32, #tpu.memory_space<hbm>> -> memref<20992xi32, #tpu.memory_space<hbm>>
    tpu.enqueue_indirect_dma source(%dma_start3A_47 : memref<20992xi32, #tpu.memory_space<hbm>>) target(%arg18 : memref<32xi32, #tpu.memory_space<vmem>>) offsets(%arg17 : memref<32xi32, #tpu.memory_space<vmem>>) semaphore(%arg25 : memref<!tpu.dma_semaphore, #tpu.memory_space<semaphore_mem>>)
    %dma_wait3A = arith.constant 0 : i32
    %dma_wait3A_48 = tpu.memref_slice %arg2[%dma_wait3A] : memref<20992xi32, #tpu.memory_space<hbm>> -> memref<20992xi32, #tpu.memory_space<hbm>>
    tpu.wait_indirect_dma semaphore(%arg25 : memref<!tpu.dma_semaphore, #tpu.memory_space<semaphore_mem>>) src(%dma_wait3A_48 : memref<20992xi32, #tpu.memory_space<hbm>>) dst(%arg18 : memref<32xi32, #tpu.memory_space<vmem>>)
    %lt3A_49 = arith.constant 1000 : i32
    %lt3A_50 = vector.broadcast %lt3A_49 : i32 to vector<16xi32>
    %lt3A_51 = arith.cmpi slt, %add3A_4, %lt3A_50 : vector<16xi32>
    %get3A = arith.constant 0 : index
    %get3A_52 = tpu.vector_load %arg18[%get3A] {strides = array<i32>} : memref<32xi32, #tpu.memory_space<vmem>>, vector<16xi32>,
    %get3A_53 = vector.shape_cast %get3A_52 : vector<16xi32> to vector<16xi32>
    %jit3A_54 = arith.constant 20000 : i32
    %broadcast_in_dim3A_55 = vector.broadcast %jit3A_54 : i32 to vector<16xi32>
    %select_n3A_56 = arith.select %lt3A_51, %get3A_53, %broadcast_in_dim3A_55 : vector<16xi1>, vector<16xi32>
    %lt3A_57 = arith.constant 1000 : i32
    %lt3A_58 = vector.broadcast %lt3A_57 : i32 to vector<16xi32>
    %lt3A_59 = arith.cmpi slt, %add3A_8, %lt3A_58 : vector<16xi32>
    %get3A_60 = arith.constant 16 : index
    %get3A_61 = tpu.vector_load %arg18[%get3A_60] {strides = array<i32>} : memref<32xi32, #tpu.memory_space<vmem>>, vector<16xi32>,
    %get3A_62 = vector.shape_cast %get3A_61 : vector<16xi32> to vector<16xi32>
    %jit3A_63 = arith.constant 20000 : i32
    %broadcast_in_dim3A_64 = vector.broadcast %jit3A_63 : i32 to vector<16xi32>
    %select_n3A_65 = arith.select %lt3A_59, %get3A_62, %broadcast_in_dim3A_64 : vector<16xi1>, vector<16xi32>
    %swap3A_66 = arith.constant 0 : index
    %swap3A_67 = tpu.vector_load %arg18[%swap3A_66] {strides = array<i32>} : memref<32xi32, #tpu.memory_space<vmem>>, vector<16xi32>,
    %swap3A_68 = vector.shape_cast %swap3A_67 : vector<16xi32> to vector<16xi32>
    %swap3A_69 = vector.shape_cast %select_n3A_56 : vector<16xi32> to vector<16xi32>
    tpu.vector_store %arg18[%swap3A_66], %swap3A_69 {strides = array<i32>} : memref<32xi32, #tpu.memory_space<vmem>>, vector<16xi32>,
    %swap3A_70 = arith.constant 16 : index
    %swap3A_71 = tpu.vector_load %arg18[%swap3A_70] {strides = array<i32>} : memref<32xi32, #tpu.memory_space<vmem>>, vector<16xi32>,
    %swap3A_72 = vector.shape_cast %swap3A_71 : vector<16xi32> to vector<16xi32>
    %swap3A_73 = vector.shape_cast %select_n3A_65 : vector<16xi32> to vector<16xi32>
    tpu.vector_store %arg18[%swap3A_70], %swap3A_73 {strides = array<i32>} : memref<32xi32, #tpu.memory_space<vmem>>, vector<16xi32>,
    %dma_start3A_74 = arith.constant 0 : i32
    %dma_start3A_75 = tpu.memref_slice %arg4[%dma_start3A_74] : memref<20480xf32, #tpu.memory_space<hbm>> -> memref<20480xf32, #tpu.memory_space<hbm>>
    tpu.enqueue_indirect_dma source(%dma_start3A_75 : memref<20480xf32, #tpu.memory_space<hbm>>) target(%arg19 : memref<32xf32, #tpu.memory_space<vmem>>) offsets(%arg18 : memref<32xi32, #tpu.memory_space<vmem>>) semaphore(%arg25 : memref<!tpu.dma_semaphore, #tpu.memory_space<semaphore_mem>>)
    %dma_start3A_76 = arith.constant 0 : i32
    %dma_start3A_77 = tpu.memref_slice %arg5[%dma_start3A_76] : memref<20480xf32, #tpu.memory_space<hbm>> -> memref<20480xf32, #tpu.memory_space<hbm>>
    tpu.enqueue_indirect_dma source(%dma_start3A_77 : memref<20480xf32, #tpu.memory_space<hbm>>) target(%arg20 : memref<32xf32, #tpu.memory_space<vmem>>) offsets(%arg18 : memref<32xi32, #tpu.memory_space<vmem>>) semaphore(%arg25 : memref<!tpu.dma_semaphore, #tpu.memory_space<semaphore_mem>>)
    %dma_start3A_78 = arith.constant 0 : i32
    %dma_start3A_79 = tpu.memref_slice %arg6[%dma_start3A_78] : memref<20480xf32, #tpu.memory_space<hbm>> -> memref<20480xf32, #tpu.memory_space<hbm>>
    tpu.enqueue_indirect_dma source(%dma_start3A_79 : memref<20480xf32, #tpu.memory_space<hbm>>) target(%arg21 : memref<32xf32, #tpu.memory_space<vmem>>) offsets(%arg18 : memref<32xi32, #tpu.memory_space<vmem>>) semaphore(%arg25 : memref<!tpu.dma_semaphore, #tpu.memory_space<semaphore_mem>>)
    %dma_start3A_80 = arith.constant 0 : i32
    %dma_start3A_81 = tpu.memref_slice %arg7[%dma_start3A_80] : memref<20480xf32, #tpu.memory_space<hbm>> -> memref<20480xf32, #tpu.memory_space<hbm>>
    tpu.enqueue_indirect_dma source(%dma_start3A_81 : memref<20480xf32, #tpu.memory_space<hbm>>) target(%arg22 : memref<32xf32, #tpu.memory_space<vmem>>) offsets(%arg18 : memref<32xi32, #tpu.memory_space<vmem>>) semaphore(%arg25 : memref<!tpu.dma_semaphore, #tpu.memory_space<semaphore_mem>>)
    %dma_start3A_82 = arith.constant 0 : i32
    %dma_start3A_83 = tpu.memref_slice %arg8[%dma_start3A_82] : memref<20480xf32, #tpu.memory_space<hbm>> -> memref<20480xf32, #tpu.memory_space<hbm>>
    tpu.enqueue_indirect_dma source(%dma_start3A_83 : memref<20480xf32, #tpu.memory_space<hbm>>) target(%arg23 : memref<32xf32, #tpu.memory_space<vmem>>) offsets(%arg18 : memref<32xi32, #tpu.memory_space<vmem>>) semaphore(%arg25 : memref<!tpu.dma_semaphore, #tpu.memory_space<semaphore_mem>>)
    %dma_start3A_84 = arith.constant 0 : i32
    %dma_start3A_85 = tpu.memref_slice %arg9[%dma_start3A_84] : memref<20480xi32, #tpu.memory_space<hbm>> -> memref<20480xi32, #tpu.memory_space<hbm>>
    tpu.enqueue_indirect_dma source(%dma_start3A_85 : memref<20480xi32, #tpu.memory_space<hbm>>) target(%arg24 : memref<32xi32, #tpu.memory_space<vmem>>) offsets(%arg18 : memref<32xi32, #tpu.memory_space<vmem>>) semaphore(%arg25 : memref<!tpu.dma_semaphore, #tpu.memory_space<semaphore_mem>>)
    %dma_wait3A_86 = arith.constant 0 : i32
    %dma_wait3A_87 = tpu.memref_slice %arg4[%dma_wait3A_86] : memref<20480xf32, #tpu.memory_space<hbm>> -> memref<20480xf32, #tpu.memory_space<hbm>>
    tpu.wait_indirect_dma semaphore(%arg25 : memref<!tpu.dma_semaphore, #tpu.memory_space<semaphore_mem>>) src(%dma_wait3A_87 : memref<20480xf32, #tpu.memory_space<hbm>>) dst(%arg19 : memref<32xf32, #tpu.memory_space<vmem>>)
    %dma_wait3A_88 = arith.constant 0 : i32
    %dma_wait3A_89 = tpu.memref_slice %arg5[%dma_wait3A_88] : memref<20480xf32, #tpu.memory_space<hbm>> -> memref<20480xf32, #tpu.memory_space<hbm>>
    tpu.wait_indirect_dma semaphore(%arg25 : memref<!tpu.dma_semaphore, #tpu.memory_space<semaphore_mem>>) src(%dma_wait3A_89 : memref<20480xf32, #tpu.memory_space<hbm>>) dst(%arg20 : memref<32xf32, #tpu.memory_space<vmem>>)
    %dma_wait3A_90 = arith.constant 0 : i32
    %dma_wait3A_91 = tpu.memref_slice %arg6[%dma_wait3A_90] : memref<20480xf32, #tpu.memory_space<hbm>> -> memref<20480xf32, #tpu.memory_space<hbm>>
    tpu.wait_indirect_dma semaphore(%arg25 : memref<!tpu.dma_semaphore, #tpu.memory_space<semaphore_mem>>) src(%dma_wait3A_91 : memref<20480xf32, #tpu.memory_space<hbm>>) dst(%arg21 : memref<32xf32, #tpu.memory_space<vmem>>)
    %dma_wait3A_92 = arith.constant 0 : i32
    %dma_wait3A_93 = tpu.memref_slice %arg7[%dma_wait3A_92] : memref<20480xf32, #tpu.memory_space<hbm>> -> memref<20480xf32, #tpu.memory_space<hbm>>
    tpu.wait_indirect_dma semaphore(%arg25 : memref<!tpu.dma_semaphore, #tpu.memory_space<semaphore_mem>>) src(%dma_wait3A_93 : memref<20480xf32, #tpu.memory_space<hbm>>) dst(%arg22 : memref<32xf32, #tpu.memory_space<vmem>>)
    %dma_wait3A_94 = arith.constant 0 : i32
    %dma_wait3A_95 = tpu.memref_slice %arg8[%dma_wait3A_94] : memref<20480xf32, #tpu.memory_space<hbm>> -> memref<20480xf32, #tpu.memory_space<hbm>>
    tpu.wait_indirect_dma semaphore(%arg25 : memref<!tpu.dma_semaphore, #tpu.memory_space<semaphore_mem>>) src(%dma_wait3A_95 : memref<20480xf32, #tpu.memory_space<hbm>>) dst(%arg23 : memref<32xf32, #tpu.memory_space<vmem>>)
    %dma_wait3A_96 = arith.constant 0 : i32
    %dma_wait3A_97 = tpu.memref_slice %arg9[%dma_wait3A_96] : memref<20480xi32, #tpu.memory_space<hbm>> -> memref<20480xi32, #tpu.memory_space<hbm>>
    tpu.wait_indirect_dma semaphore(%arg25 : memref<!tpu.dma_semaphore, #tpu.memory_space<semaphore_mem>>) src(%dma_wait3A_97 : memref<20480xi32, #tpu.memory_space<hbm>>) dst(%arg24 : memref<32xi32, #tpu.memory_space<vmem>>)
    %dma_start3A_98 = tpu.memref_slice %arg10[%mul3A_2] : memref<1024xf32, #tpu.memory_space<hbm>> -> memref<32xf32, #tpu.memory_space<hbm>>
    %dma_start3A_99 = tpu.memref_slice %arg10[%mul3A_2] : memref<1024xf32, #tpu.memory_space<hbm>> -> memref<32xf32, #tpu.memory_space<hbm>>
    tpu.enqueue_dma source(%arg19 : memref<32xf32, #tpu.memory_space<vmem>>) target(%dma_start3A_99 : memref<32xf32, #tpu.memory_space<hbm>>) target_semaphore(%arg25 : memref<!tpu.dma_semaphore, #tpu.memory_space<semaphore_mem>>)
    %dma_start3A_100 = tpu.memref_slice %arg11[%mul3A_2] : memref<1024xf32, #tpu.memory_space<hbm>> -> memref<32xf32, #tpu.memory_space<hbm>>
    %dma_start3A_101 = tpu.memref_slice %arg11[%mul3A_2] : memref<1024xf32, #tpu.memory_space<hbm>> -> memref<32xf32, #tpu.memory_space<hbm>>
    tpu.enqueue_dma source(%arg20 : memref<32xf32, #tpu.memory_space<vmem>>) target(%dma_start3A_101 : memref<32xf32, #tpu.memory_space<hbm>>) target_semaphore(%arg25 : memref<!tpu.dma_semaphore, #tpu.memory_space<semaphore_mem>>)
    %dma_start3A_102 = tpu.memref_slice %arg12[%mul3A_2] : memref<1024xf32, #tpu.memory_space<hbm>> -> memref<32xf32, #tpu.memory_space<hbm>>
    %dma_start3A_103 = tpu.memref_slice %arg12[%mul3A_2] : memref<1024xf32, #tpu.memory_space<hbm>> -> memref<32xf32, #tpu.memory_space<hbm>>
    tpu.enqueue_dma source(%arg21 : memref<32xf32, #tpu.memory_space<vmem>>) target(%dma_start3A_103 : memref<32xf32, #tpu.memory_space<hbm>>) target_semaphore(%arg25 : memref<!tpu.dma_semaphore, #tpu.memory_space<semaphore_mem>>)
    %dma_start3A_104 = tpu.memref_slice %arg13[%mul3A_2] : memref<1024xf32, #tpu.memory_space<hbm>> -> memref<32xf32, #tpu.memory_space<hbm>>
    %dma_start3A_105 = tpu.memref_slice %arg13[%mul3A_2] : memref<1024xf32, #tpu.memory_space<hbm>> -> memref<32xf32, #tpu.memory_space<hbm>>
    tpu.enqueue_dma source(%arg22 : memref<32xf32, #tpu.memory_space<vmem>>) target(%dma_start3A_105 : memref<32xf32, #tpu.memory_space<hbm>>) target_semaphore(%arg25 : memref<!tpu.dma_semaphore, #tpu.memory_space<semaphore_mem>>)
    %dma_start3A_106 = tpu.memref_slice %arg14[%mul3A_2] : memref<1024xf32, #tpu.memory_space<hbm>> -> memref<32xf32, #tpu.memory_space<hbm>>
    %dma_start3A_107 = tpu.memref_slice %arg14[%mul3A_2] : memref<1024xf32, #tpu.memory_space<hbm>> -> memref<32xf32, #tpu.memory_space<hbm>>
    tpu.enqueue_dma source(%arg23 : memref<32xf32, #tpu.memory_space<vmem>>) target(%dma_start3A_107 : memref<32xf32, #tpu.memory_space<hbm>>) target_semaphore(%arg25 : memref<!tpu.dma_semaphore, #tpu.memory_space<semaphore_mem>>)
    %dma_start3A_108 = tpu.memref_slice %arg15[%mul3A_2] : memref<1024xi32, #tpu.memory_space<hbm>> -> memref<32xi32, #tpu.memory_space<hbm>>
    %dma_start3A_109 = tpu.memref_slice %arg15[%mul3A_2] : memref<1024xi32, #tpu.memory_space<hbm>> -> memref<32xi32, #tpu.memory_space<hbm>>
    tpu.enqueue_dma source(%arg24 : memref<32xi32, #tpu.memory_space<vmem>>) target(%dma_start3A_109 : memref<32xi32, #tpu.memory_space<hbm>>) target_semaphore(%arg25 : memref<!tpu.dma_semaphore, #tpu.memory_space<semaphore_mem>>)
    %dma_wait3A_110 = tpu.memref_slice %arg10[%mul3A_2] : memref<1024xf32, #tpu.memory_space<hbm>> -> memref<32xf32, #tpu.memory_space<hbm>>
    %dma_wait3A_111 = tpu.memref_slice %arg10[%mul3A_2] : memref<1024xf32, #tpu.memory_space<hbm>> -> memref<32xf32, #tpu.memory_space<hbm>>
    tpu.wait_dma2 semaphore(%arg25 : memref<!tpu.dma_semaphore, #tpu.memory_space<semaphore_mem>>) src(%arg19 : memref<32xf32, #tpu.memory_space<vmem>>) dst(%dma_wait3A_111 : memref<32xf32, #tpu.memory_space<hbm>>)
    %dma_wait3A_112 = tpu.memref_slice %arg11[%mul3A_2] : memref<1024xf32, #tpu.memory_space<hbm>> -> memref<32xf32, #tpu.memory_space<hbm>>
    %dma_wait3A_113 = tpu.memref_slice %arg11[%mul3A_2] : memref<1024xf32, #tpu.memory_space<hbm>> -> memref<32xf32, #tpu.memory_space<hbm>>
    tpu.wait_dma2 semaphore(%arg25 : memref<!tpu.dma_semaphore, #tpu.memory_space<semaphore_mem>>) src(%arg20 : memref<32xf32, #tpu.memory_space<vmem>>) dst(%dma_wait3A_113 : memref<32xf32, #tpu.memory_space<hbm>>)
    %dma_wait3A_114 = tpu.memref_slice %arg12[%mul3A_2] : memref<1024xf32, #tpu.memory_space<hbm>> -> memref<32xf32, #tpu.memory_space<hbm>>
    %dma_wait3A_115 = tpu.memref_slice %arg12[%mul3A_2] : memref<1024xf32, #tpu.memory_space<hbm>> -> memref<32xf32, #tpu.memory_space<hbm>>
    tpu.wait_dma2 semaphore(%arg25 : memref<!tpu.dma_semaphore, #tpu.memory_space<semaphore_mem>>) src(%arg21 : memref<32xf32, #tpu.memory_space<vmem>>) dst(%dma_wait3A_115 : memref<32xf32, #tpu.memory_space<hbm>>)
    %dma_wait3A_116 = tpu.memref_slice %arg13[%mul3A_2] : memref<1024xf32, #tpu.memory_space<hbm>> -> memref<32xf32, #tpu.memory_space<hbm>>
    %dma_wait3A_117 = tpu.memref_slice %arg13[%mul3A_2] : memref<1024xf32, #tpu.memory_space<hbm>> -> memref<32xf32, #tpu.memory_space<hbm>>
    tpu.wait_dma2 semaphore(%arg25 : memref<!tpu.dma_semaphore, #tpu.memory_space<semaphore_mem>>) src(%arg22 : memref<32xf32, #tpu.memory_space<vmem>>) dst(%dma_wait3A_117 : memref<32xf32, #tpu.memory_space<hbm>>)
    %dma_wait3A_118 = tpu.memref_slice %arg14[%mul3A_2] : memref<1024xf32, #tpu.memory_space<hbm>> -> memref<32xf32, #tpu.memory_space<hbm>>
    %dma_wait3A_119 = tpu.memref_slice %arg14[%mul3A_2] : memref<1024xf32, #tpu.memory_space<hbm>> -> memref<32xf32, #tpu.memory_space<hbm>>
    tpu.wait_dma2 semaphore(%arg25 : memref<!tpu.dma_semaphore, #tpu.memory_space<semaphore_mem>>) src(%arg23 : memref<32xf32, #tpu.memory_space<vmem>>) dst(%dma_wait3A_119 : memref<32xf32, #tpu.memory_space<hbm>>)
    %dma_wait3A_120 = tpu.memref_slice %arg15[%mul3A_2] : memref<1024xi32, #tpu.memory_space<hbm>> -> memref<32xi32, #tpu.memory_space<hbm>>
    %dma_wait3A_121 = tpu.memref_slice %arg15[%mul3A_2] : memref<1024xi32, #tpu.memory_space<hbm>> -> memref<32xi32, #tpu.memory_space<hbm>>
    tpu.wait_dma2 semaphore(%arg25 : memref<!tpu.dma_semaphore, #tpu.memory_space<semaphore_mem>>) src(%arg24 : memref<32xi32, #tpu.memory_space<vmem>>) dst(%dma_wait3A_121 : memref<32xi32, #tpu.memory_space<hbm>>)
    return
  }
}

#map = affine_map<(d0, d1) -> (0)>
module attributes {stable_mosaic.version = 14 : i64} {
  func.func @_compact_body(%arg0: i32, %arg1: i32, %arg2: memref<20480xi32, #tpu.memory_space<hbm>>, %arg3: memref<16xi32, #tpu.memory_space<hbm>>, %arg4: memref<256xi32, #tpu.memory_space<hbm>>, %arg5: memref<20992xi32, #tpu.memory_space<hbm>>, %arg6: memref<512xi32, #tpu.memory_space<hbm>>, %arg7: memref<640xi32, #tpu.memory_space<vmem>>, %arg8: memref<16xi32, #tpu.memory_space<vmem>>, %arg9: memref<256xi32, #tpu.memory_space<vmem>>, %arg10: memref<656xi32, #tpu.memory_space<vmem>>, %arg11: memref<16xi32, #tpu.memory_space<vmem>>) attributes {dimension_semantics = [#tpu.dimension_semantics<core_parallel>, #tpu.dimension_semantics<subcore_parallel>], iteration_bounds = array<i64: 2, 16>, scalar_prefetch = 0 : i64, scratch_operands = 5 : i64, tpu.core_type = #tpu.core_type<sc_vector_subcore>, window_params = [{transform_indices = #map}, {transform_indices = #map}, {transform_indices = #map}, {transform_indices = #map}, {transform_indices = #map}]} {
    %mul3A = arith.constant 2 : i32
    %mul3A_0 = arith.muli %arg1, %mul3A : i32
    %add3A = arith.addi %mul3A_0, %arg0 : i32
    %mul3A_1 = arith.constant 640 : i32
    %mul3A_2 = arith.muli %add3A, %mul3A_1 : i32
    "tpu.region"() ({
      %run_scoped3A = tpu.sem_alloc : memref<!tpu.dma_semaphore, #tpu.memory_space<semaphore_mem>>
      %dma_start3A = tpu.memref_slice %arg2[%mul3A_2] : memref<20480xi32, #tpu.memory_space<hbm>> -> memref<640xi32, #tpu.memory_space<hbm>>
      %dma_start3A_31 = tpu.memref_slice %arg2[%mul3A_2] : memref<20480xi32, #tpu.memory_space<hbm>> -> memref<640xi32, #tpu.memory_space<hbm>>
      tpu.enqueue_dma source(%dma_start3A_31 : memref<640xi32, #tpu.memory_space<hbm>>) target(%arg7 : memref<640xi32, #tpu.memory_space<vmem>>) target_semaphore(%run_scoped3A : memref<!tpu.dma_semaphore, #tpu.memory_space<semaphore_mem>>)
      %dma_wait3A = tpu.memref_slice %arg2[%mul3A_2] : memref<20480xi32, #tpu.memory_space<hbm>> -> memref<640xi32, #tpu.memory_space<hbm>>
      %dma_wait3A_32 = tpu.memref_slice %arg2[%mul3A_2] : memref<20480xi32, #tpu.memory_space<hbm>> -> memref<640xi32, #tpu.memory_space<hbm>>
      tpu.wait_dma2 semaphore(%run_scoped3A : memref<!tpu.dma_semaphore, #tpu.memory_space<semaphore_mem>>) src(%dma_wait3A_32 : memref<640xi32, #tpu.memory_space<hbm>>) dst(%arg7 : memref<640xi32, #tpu.memory_space<vmem>>)
      tpu.yield
    }) : () -> ()
    "tpu.region"() ({
      %run_scoped3A = tpu.sem_alloc : memref<!tpu.dma_semaphore, #tpu.memory_space<semaphore_mem>>
      tpu.enqueue_dma source(%arg3 : memref<16xi32, #tpu.memory_space<hbm>>) target(%arg8 : memref<16xi32, #tpu.memory_space<vmem>>) target_semaphore(%run_scoped3A : memref<!tpu.dma_semaphore, #tpu.memory_space<semaphore_mem>>)
      tpu.wait_dma2 semaphore(%run_scoped3A : memref<!tpu.dma_semaphore, #tpu.memory_space<semaphore_mem>>) src(%arg3 : memref<16xi32, #tpu.memory_space<hbm>>) dst(%arg8 : memref<16xi32, #tpu.memory_space<vmem>>)
      tpu.yield
    }) : () -> ()
    "tpu.region"() ({
      %run_scoped3A = tpu.sem_alloc : memref<!tpu.dma_semaphore, #tpu.memory_space<semaphore_mem>>
      tpu.enqueue_dma source(%arg4 : memref<256xi32, #tpu.memory_space<hbm>>) target(%arg9 : memref<256xi32, #tpu.memory_space<vmem>>) target_semaphore(%run_scoped3A : memref<!tpu.dma_semaphore, #tpu.memory_space<semaphore_mem>>)
      tpu.wait_dma2 semaphore(%run_scoped3A : memref<!tpu.dma_semaphore, #tpu.memory_space<semaphore_mem>>) src(%arg4 : memref<256xi32, #tpu.memory_space<hbm>>) dst(%arg9 : memref<256xi32, #tpu.memory_space<vmem>>)
      tpu.yield
    }) : () -> ()
    %get3A = arith.constant 0 : index
    %get3A_3 = tpu.vector_load %arg8[%get3A] {strides = array<i32>} : memref<16xi32, #tpu.memory_space<vmem>>, vector<16xi32>,
    %slice3A = vector.extract_strided_slice %get3A_3 {offsets = [0], sizes = [1], strides = [1]} : vector<16xi32> to vector<1xi32>
    %squeeze3A = vector.extract %slice3A[0] : i32 from vector<1xi32>
    %slice3A_4 = vector.extract_strided_slice %get3A_3 {offsets = [2], sizes = [1], strides = [1]} : vector<16xi32> to vector<1xi32>
    %squeeze3A_5 = vector.extract %slice3A_4[0] : i32 from vector<1xi32>
    %iota3A = tpu.iota {dimensions = array<i32: 0>} : vector<16xi32>
    %broadcast_in_dim3A = arith.constant 0 : i32
    %broadcast_in_dim3A_6 = vector.broadcast %broadcast_in_dim3A : i32 to vector<16xi32>
    %scan3A = arith.constant 0 : i32
    %scan3A_7 = arith.constant 10 : i32
    %scan3A_8 = arith.addi %scan3A, %scan3A_7 : i32
    %scan3A_9 = arith.constant 1 : i32
    %scan3A_10 = scf.for %scan3A_31 = %scan3A to %scan3A_8 step %scan3A_9 iter_args(%scan3A_32 = %broadcast_in_dim3A_6) -> (vector<16xi32>)  : i32 {
      %mul3A_33 = arith.constant 16 : i32
      %mul3A_34 = arith.muli %scan3A_31, %mul3A_33 : i32
      %get3A_35 = arith.index_cast %mul3A_34 : i32 to index
      %get3A_36 = tpu.vector_load %arg9[%get3A_35] {strides = array<i32>} : memref<256xi32, #tpu.memory_space<vmem>>, vector<16xi32>,
      %mul3A_37 = arith.constant 16 : i32
      %mul3A_38 = arith.muli %scan3A_31, %mul3A_37 : i32
      %add3A_39 = vector.broadcast %mul3A_38 : i32 to vector<16xi32>
      %add3A_40 = arith.addi %iota3A, %add3A_39 : vector<16xi32>
      %mul3A_41 = arith.constant 5 : i32
      %mul3A_42 = arith.muli %mul3A_41, %add3A : i32
      %lt3A = vector.broadcast %mul3A_42 : i32 to vector<16xi32>
      %lt3A_43 = arith.cmpi slt, %add3A_40, %lt3A : vector<16xi32>
      %jit3A = arith.constant 0 : i32
      %broadcast_in_dim3A_44 = vector.broadcast %jit3A : i32 to vector<16xi32>
      %select_n3A = arith.select %lt3A_43, %get3A_36, %broadcast_in_dim3A_44 : vector<16xi1>, vector<16xi32>
      %add3A_45 = arith.addi %scan3A_32, %select_n3A : vector<16xi32>
      scf.yield %add3A_45 : vector<16xi32>
    }
    %scan3A_11 = arith.constant 10 : i32
    %reduce_sum3A = arith.constant true
    %reduce_sum3A_12 = vector.broadcast %reduce_sum3A : i1 to vector<16xi1>
    %reduce_sum3A_13 = tpu.scan <sum>, %scan3A_10 masked %reduce_sum3A_12 : vector<16xi32>, vector<16xi1> -> vector<16xi32>
    %reduce_sum3A_14 = vector.extract %reduce_sum3A_13[15] : i32 from vector<16xi32>
    %scan3A_15 = arith.constant 0 : i32
    %scan3A_16 = arith.constant 0 : i32
    %scan3A_17 = arith.constant 40 : i32
    %scan3A_18 = arith.addi %scan3A_16, %scan3A_17 : i32
    %scan3A_19 = arith.constant 1 : i32
    %scan3A_20:2 = scf.for %scan3A_31 = %scan3A_16 to %scan3A_18 step %scan3A_19 iter_args(%scan3A_32 = %scan3A_15, %scan3A_33 = %reduce_sum3A_14) -> (i32, i32)  : i32 {
      %mul3A_34 = arith.constant 16 : i32
      %mul3A_35 = arith.muli %scan3A_31, %mul3A_34 : i32
      %get3A_36 = arith.index_cast %mul3A_35 : i32 to index
      %get3A_37 = tpu.vector_load %arg7[%get3A_36] {strides = array<i32>} : memref<640xi32, #tpu.memory_space<vmem>>, vector<16xi32>,
      %gt3A = vector.broadcast %squeeze3A : i32 to vector<16xi32>
      %gt3A_38 = arith.cmpi sgt, %get3A_37, %gt3A : vector<16xi32>
      %eq3A = vector.broadcast %squeeze3A : i32 to vector<16xi32>
      %eq3A_39 = arith.cmpi eq, %get3A_37, %eq3A : vector<16xi32>
      %jit3A = arith.constant 1 : i32
      %jit3A_40 = arith.constant 0 : i32
      %broadcast_in_dim3A_41 = vector.broadcast %jit3A : i32 to vector<16xi32>
      %broadcast_in_dim3A_42 = vector.broadcast %jit3A_40 : i32 to vector<16xi32>
      %select_n3A = arith.select %eq3A_39, %broadcast_in_dim3A_41, %broadcast_in_dim3A_42 : vector<16xi1>, vector<16xi32>
      %broadcast_in_dim3A_43 = arith.constant true
      %broadcast_in_dim3A_44 = vector.broadcast %broadcast_in_dim3A_43 : i1 to vector<16xi1>
      %masked_cumsum3A = tpu.scan <sum>, %select_n3A masked %broadcast_in_dim3A_44 : vector<16xi32>, vector<16xi1> -> vector<16xi32>
      %add3A_45 = vector.broadcast %scan3A_33 : i32 to vector<16xi32>
      %add3A_46 = arith.addi %add3A_45, %masked_cumsum3A : vector<16xi32>
      %le3A = vector.broadcast %squeeze3A_5 : i32 to vector<16xi32>
      %le3A_47 = arith.cmpi sle, %add3A_46, %le3A : vector<16xi32>
      %and3A = arith.andi %eq3A_39, %le3A_47 : vector<16xi1>
      %or3A = arith.ori %gt3A_38, %and3A : vector<16xi1>
      %mul3A_48 = arith.constant 16 : i32
      %mul3A_49 = arith.muli %scan3A_31, %mul3A_48 : i32
      %add3A_50 = arith.addi %mul3A_2, %mul3A_49 : i32
      %add3A_51 = vector.broadcast %add3A_50 : i32 to vector<16xi32>
      %add3A_52 = arith.addi %add3A_51, %iota3A : vector<16xi32>
      %swap3A_53 = arith.index_cast %scan3A_32 : i32 to index
      %swap3A_54 = tpu.vector_load %arg10[%swap3A_53] masked %or3A {strides = array<i32>} : memref<656xi32, #tpu.memory_space<vmem>>, vector<16xi32>, vector<16xi1>
      tpu.vector_store %arg10[%swap3A_53], %add3A_52 masked %or3A {strides = array<i32>} : memref<656xi32, #tpu.memory_space<vmem>>, vector<16xi32>, vector<16xi1>
      %all_reduce_population_count3A = tpu.all_reduce %or3A {dim = 0 : i64, kind = #tpu.reduction_kind<sum>} : vector<16xi1> -> vector<16xi32>
      %reduce_max3A = arith.constant true
      %reduce_max3A_55 = vector.broadcast %reduce_max3A : i1 to vector<16xi1>
      %reduce_max3A_56 = arith.constant -2147483648 : i32
      %reduce_max3A_57 = vector.broadcast %reduce_max3A_56 : i32 to vector<16xi32>
      %reduce_max3A_58 = arith.xori %all_reduce_population_count3A, %reduce_max3A_57 : vector<16xi32>
      %reduce_max3A_59 = tpu.scan <max>, %reduce_max3A_58 masked %reduce_max3A_55 : vector<16xi32>, vector<16xi1> -> vector<16xi32>
      %reduce_max3A_60 = arith.xori %reduce_max3A_59, %reduce_max3A_57 : vector<16xi32>
      %reduce_max3A_61 = vector.extract %reduce_max3A_60[15] : i32 from vector<16xi32>
      %add3A_62 = arith.addi %scan3A_32, %reduce_max3A_61 : i32
      %reduce_max3A_63 = arith.constant true
      %reduce_max3A_64 = vector.broadcast %reduce_max3A_63 : i1 to vector<16xi1>
      %reduce_max3A_65 = arith.constant -2147483648 : i32
      %reduce_max3A_66 = vector.broadcast %reduce_max3A_65 : i32 to vector<16xi32>
      %reduce_max3A_67 = arith.xori %masked_cumsum3A, %reduce_max3A_66 : vector<16xi32>
      %reduce_max3A_68 = tpu.scan <max>, %reduce_max3A_67 masked %reduce_max3A_64 : vector<16xi32>, vector<16xi1> -> vector<16xi32>
      %reduce_max3A_69 = arith.xori %reduce_max3A_68, %reduce_max3A_66 : vector<16xi32>
      %reduce_max3A_70 = vector.extract %reduce_max3A_69[15] : i32 from vector<16xi32>
      %add3A_71 = arith.addi %scan3A_33, %reduce_max3A_70 : i32
      scf.yield %add3A_62, %add3A_71 : i32, i32
    }
    %scan3A_21 = arith.constant 40 : i32
    %broadcast_in_dim3A_22 = arith.constant 0 : i32
    %broadcast_in_dim3A_23 = vector.broadcast %broadcast_in_dim3A_22 : i32 to vector<16xi32>
    %add3A_24 = vector.broadcast %scan3A_20#0 : i32 to vector<16xi32>
    %add3A_25 = arith.addi %broadcast_in_dim3A_23, %add3A_24 : vector<16xi32>
    %swap3A = arith.constant 0 : index
    %swap3A_26 = tpu.vector_load %arg11[%swap3A] {strides = array<i32>} : memref<16xi32, #tpu.memory_space<vmem>>, vector<16xi32>,
    tpu.vector_store %arg11[%swap3A], %add3A_25 {strides = array<i32>} : memref<16xi32, #tpu.memory_space<vmem>>, vector<16xi32>,
    %mul3A_27 = arith.constant 16 : i32
    %mul3A_28 = arith.muli %add3A, %mul3A_27 : i32
    "tpu.region"() ({
      %run_scoped3A = tpu.sem_alloc : memref<!tpu.dma_semaphore, #tpu.memory_space<semaphore_mem>>
      %dma_start3A = tpu.memref_slice %arg6[%mul3A_28] : memref<512xi32, #tpu.memory_space<hbm>> -> memref<16xi32, #tpu.memory_space<hbm>>
      %dma_start3A_31 = tpu.memref_slice %arg6[%mul3A_28] : memref<512xi32, #tpu.memory_space<hbm>> -> memref<16xi32, #tpu.memory_space<hbm>>
      tpu.enqueue_dma source(%arg11 : memref<16xi32, #tpu.memory_space<vmem>>) target(%dma_start3A_31 : memref<16xi32, #tpu.memory_space<hbm>>) target_semaphore(%run_scoped3A : memref<!tpu.dma_semaphore, #tpu.memory_space<semaphore_mem>>)
      %dma_wait3A = tpu.memref_slice %arg6[%mul3A_28] : memref<512xi32, #tpu.memory_space<hbm>> -> memref<16xi32, #tpu.memory_space<hbm>>
      %dma_wait3A_32 = tpu.memref_slice %arg6[%mul3A_28] : memref<512xi32, #tpu.memory_space<hbm>> -> memref<16xi32, #tpu.memory_space<hbm>>
      tpu.wait_dma2 semaphore(%run_scoped3A : memref<!tpu.dma_semaphore, #tpu.memory_space<semaphore_mem>>) src(%arg11 : memref<16xi32, #tpu.memory_space<vmem>>) dst(%dma_wait3A_32 : memref<16xi32, #tpu.memory_space<hbm>>)
      tpu.yield
    }) : () -> ()
    %mul3A_29 = arith.constant 656 : i32
    %mul3A_30 = arith.muli %add3A, %mul3A_29 : i32
    "tpu.region"() ({
      %run_scoped3A = tpu.sem_alloc : memref<!tpu.dma_semaphore, #tpu.memory_space<semaphore_mem>>
      %dma_start3A = tpu.memref_slice %arg5[%mul3A_30] : memref<20992xi32, #tpu.memory_space<hbm>> -> memref<656xi32, #tpu.memory_space<hbm>>
      %dma_start3A_31 = tpu.memref_slice %arg5[%mul3A_30] : memref<20992xi32, #tpu.memory_space<hbm>> -> memref<656xi32, #tpu.memory_space<hbm>>
      tpu.enqueue_dma source(%arg10 : memref<656xi32, #tpu.memory_space<vmem>>) target(%dma_start3A_31 : memref<656xi32, #tpu.memory_space<hbm>>) target_semaphore(%run_scoped3A : memref<!tpu.dma_semaphore, #tpu.memory_space<semaphore_mem>>)
      %dma_wait3A = tpu.memref_slice %arg5[%mul3A_30] : memref<20992xi32, #tpu.memory_space<hbm>> -> memref<656xi32, #tpu.memory_space<hbm>>
      %dma_wait3A_32 = tpu.memref_slice %arg5[%mul3A_30] : memref<20992xi32, #tpu.memory_space<hbm>> -> memref<656xi32, #tpu.memory_space<hbm>>
      tpu.wait_dma2 semaphore(%run_scoped3A : memref<!tpu.dma_semaphore, #tpu.memory_space<semaphore_mem>>) src(%arg10 : memref<656xi32, #tpu.memory_space<vmem>>) dst(%dma_wait3A_32 : memref<656xi32, #tpu.memory_space<hbm>>)
      tpu.yield
    }) : () -> ()
    return
  }
}

module attributes {stable_mosaic.version = 14 : i64} {
  func.func @_thresh_body(%arg0: memref<160x128xi32, #tpu.memory_space<vmem>>, %arg1: memref<16xi32, #tpu.memory_space<vmem>>, %arg2: memref<256xi32, #tpu.memory_space<vmem>>) attributes {dimension_semantics = [], scalar_prefetch = 0 : i64, scratch_operands = 0 : i64, tpu.core_type = #tpu.core_type<tc>} {
    %get3A = arith.constant 0 : index
    %get3A_0 = arith.constant 0 : index
    %get3A_1 = vector.load %arg0[%get3A, %get3A_0] : memref<160x128xi32, #tpu.memory_space<vmem>>, vector<160x128xi32>
    %scan3A = arith.constant 0 : i32
    %scan3A_2 = arith.constant 1065353216 : i32
    %scan3A_3 = arith.constant 0 : i32
    %scan3A_4 = arith.constant 31 : i32
    %scan3A_5 = arith.addi %scan3A_3, %scan3A_4 : i32
    %scan3A_6 = arith.constant 1 : i32
    %scan3A_7:2 = scf.for %scan3A_39 = %scan3A_3 to %scan3A_5 step %scan3A_6 iter_args(%scan3A_40 = %scan3A, %scan3A_41 = %scan3A_2) -> (i32, i32)  : i32 {
      %sub3A_42 = arith.subi %scan3A_41, %scan3A_40 : i32
      %add3A = arith.constant 1 : i32
      %add3A_43 = arith.addi %sub3A_42, %add3A : i32
      %shift_right_arithmetic3A = arith.constant 1 : i32
      %shift_right_arithmetic3A_44 = arith.shrsi %add3A_43, %shift_right_arithmetic3A : i32
      %add3A_45 = arith.addi %scan3A_40, %shift_right_arithmetic3A_44 : i32
      %ge3A = vector.broadcast %add3A_45 : i32 to vector<160x128xi32>
      %ge3A_46 = arith.cmpi sge, %get3A_1, %ge3A : vector<160x128xi32>
      %convert_element_type3A_47 = arith.extui %ge3A_46 : vector<160x128xi1> to vector<160x128xi32>
      %reduce_sum3A_48 = vector.shape_cast %convert_element_type3A_47 : vector<160x128xi32> to vector<1x160x128xi32>
      %reduce_sum3A_49 = arith.constant dense<0> : vector<1xi32>
      %reduce_sum3A_50 = vector.multi_reduction <add>, %reduce_sum3A_48, %reduce_sum3A_49 [1, 2] : vector<1x160x128xi32> to vector<1xi32>
      %reduce_sum3A_51 = vector.shape_cast %reduce_sum3A_50 : vector<1xi32> to vector<1x1x1xi32>
      %reduce_sum3A_52 = vector.extract %reduce_sum3A_51[0, 0, 0] : i32 from vector<1x1x1xi32>
      %ge3A_53 = arith.constant 1000 : i32
      %ge3A_54 = arith.cmpi sge, %reduce_sum3A_52, %ge3A_53 : i32
      %select_n3A_55 = arith.select %ge3A_54, %add3A_45, %scan3A_40 : i32
      %sub3A_56 = arith.constant 1 : i32
      %sub3A_57 = arith.subi %add3A_45, %sub3A_56 : i32
      %select_n3A_58 = arith.select %ge3A_54, %scan3A_41, %sub3A_57 : i32
      scf.yield %select_n3A_55, %select_n3A_58 : i32, i32
    }
    %gt3A = vector.broadcast %scan3A_7#0 : i32 to vector<160x128xi32>
    %gt3A_8 = arith.cmpi sgt, %get3A_1, %gt3A : vector<160x128xi32>
    %convert_element_type3A = arith.extui %gt3A_8 : vector<160x128xi1> to vector<160x128xi32>
    %reduce_sum3A = vector.shape_cast %convert_element_type3A : vector<160x128xi32> to vector<1x160x128xi32>
    %reduce_sum3A_9 = arith.constant dense<0> : vector<1xi32>
    %reduce_sum3A_10 = vector.multi_reduction <add>, %reduce_sum3A, %reduce_sum3A_9 [1, 2] : vector<1x160x128xi32> to vector<1xi32>
    %reduce_sum3A_11 = vector.shape_cast %reduce_sum3A_10 : vector<1xi32> to vector<1x1x1xi32>
    %reduce_sum3A_12 = vector.extract %reduce_sum3A_11[0, 0, 0] : i32 from vector<1x1x1xi32>
    %sub3A = arith.constant 1000 : i32
    %sub3A_13 = arith.subi %sub3A, %reduce_sum3A_12 : i32
    %eq3A = vector.broadcast %scan3A_7#0 : i32 to vector<160x128xi32>
    %eq3A_14 = arith.cmpi eq, %get3A_1, %eq3A : vector<160x128xi32>
    %convert_element_type3A_15 = arith.extui %eq3A_14 : vector<160x128xi1> to vector<160x128xi32>
    %reduce_sum3A_16 = arith.constant dense<0> : vector<160xi32>
    %reduce_sum3A_17 = vector.multi_reduction <add>, %convert_element_type3A_15, %reduce_sum3A_16 [1] : vector<160x128xi32> to vector<160xi32>
    %broadcast_in_dim3A = vector.shape_cast %reduce_sum3A_17 : vector<160xi32> to vector<160x1xi32>
    %broadcast_in_dim3A_18 = arith.constant 0 : i32
    %broadcast_in_dim3A_19 = vector.broadcast %broadcast_in_dim3A_18 : i32 to vector<96x1xi32>
    %concatenate3A = tpu.concatenate %broadcast_in_dim3A, %broadcast_in_dim3A_19 in 0 : vector<160x1xi32>, vector<96x1xi32> -> vector<256x1xi32>
    %reshape3A = vector.shape_cast %concatenate3A : vector<256x1xi32> to vector<256xi32>
    %swap3A = arith.constant 0 : index
    %swap3A_20 = vector.load %arg2[%swap3A] : memref<256xi32, #tpu.memory_space<vmem>>, vector<256xi32>
    tpu.vector_store %arg2[%swap3A], %reshape3A {strides = array<i32>} : memref<256xi32, #tpu.memory_space<vmem>>, vector<256xi32>,
    %iota3A = tpu.iota {dimensions = array<i32: 1>} : vector<1x16xi32>
    %iota3A_21 = vector.shape_cast %iota3A : vector<1x16xi32> to vector<16xi32>
    %eq3A_22 = arith.constant 0 : i32
    %eq3A_23 = vector.broadcast %eq3A_22 : i32 to vector<16xi32>
    %eq3A_24 = arith.cmpi eq, %iota3A_21, %eq3A_23 : vector<16xi32>
    %eq3A_25 = arith.constant 1 : i32
    %eq3A_26 = vector.broadcast %eq3A_25 : i32 to vector<16xi32>
    %eq3A_27 = arith.cmpi eq, %iota3A_21, %eq3A_26 : vector<16xi32>
    %eq3A_28 = arith.constant 2 : i32
    %eq3A_29 = vector.broadcast %eq3A_28 : i32 to vector<16xi32>
    %eq3A_30 = arith.cmpi eq, %iota3A_21, %eq3A_29 : vector<16xi32>
    %jit3A = arith.constant 0 : i32
    %broadcast_in_dim3A_31 = vector.broadcast %sub3A_13 : i32 to vector<16xi32>
    %broadcast_in_dim3A_32 = vector.broadcast %jit3A : i32 to vector<16xi32>
    %select_n3A = arith.select %eq3A_30, %broadcast_in_dim3A_31, %broadcast_in_dim3A_32 : vector<16xi1>, vector<16xi32>
    %broadcast_in_dim3A_33 = vector.broadcast %reduce_sum3A_12 : i32 to vector<16xi32>
    %select_n3A_34 = arith.select %eq3A_27, %broadcast_in_dim3A_33, %select_n3A : vector<16xi1>, vector<16xi32>
    %broadcast_in_dim3A_35 = vector.broadcast %scan3A_7#0 : i32 to vector<16xi32>
    %select_n3A_36 = arith.select %eq3A_24, %broadcast_in_dim3A_35, %select_n3A_34 : vector<16xi1>, vector<16xi32>
    %swap3A_37 = arith.constant 0 : index
    %swap3A_38 = vector.load %arg1[%swap3A_37] : memref<16xi32, #tpu.memory_space<vmem>>, vector<16xi32>
    tpu.vector_store %arg1[%swap3A_37], %select_n3A_36 {strides = array<i32>} : memref<16xi32, #tpu.memory_space<vmem>>, vector<16xi32>,
    return
  }
}

module attributes {stable_mosaic.version = 14 : i64} {
  func.func @_nms_body(%arg0: memref<8x128xf32, #tpu.memory_space<vmem>>, %arg1: memref<8x128xf32, #tpu.memory_space<vmem>>, %arg2: memref<8x128xf32, #tpu.memory_space<vmem>>, %arg3: memref<8x128xf32, #tpu.memory_space<vmem>>, %arg4: memref<8x128xf32, #tpu.memory_space<vmem>>, %arg5: memref<1024xf32, #tpu.memory_space<smem>>, %arg6: memref<1024xf32, #tpu.memory_space<smem>>, %arg7: memref<1024xf32, #tpu.memory_space<smem>>, %arg8: memref<1024xf32, #tpu.memory_space<smem>>, %arg9: memref<1024xf32, #tpu.memory_space<smem>>, %arg10: memref<1024xi32, #tpu.memory_space<smem>>, %arg11: memref<100x8xf32, #tpu.memory_space<smem>>) attributes {dimension_semantics = [], scalar_prefetch = 0 : i64, scratch_operands = 0 : i64, tpu.core_type = #tpu.core_type<tc>} {
    %get3A = arith.constant 0 : index
    %get3A_0 = arith.constant 0 : index
    %get3A_1 = vector.load %arg0[%get3A, %get3A_0] : memref<8x128xf32, #tpu.memory_space<vmem>>, vector<8x128xf32>
    %get3A_2 = arith.constant 0 : index
    %get3A_3 = arith.constant 0 : index
    %get3A_4 = vector.load %arg1[%get3A_2, %get3A_3] : memref<8x128xf32, #tpu.memory_space<vmem>>, vector<8x128xf32>
    %get3A_5 = arith.constant 0 : index
    %get3A_6 = arith.constant 0 : index
    %get3A_7 = vector.load %arg2[%get3A_5, %get3A_6] : memref<8x128xf32, #tpu.memory_space<vmem>>, vector<8x128xf32>
    %get3A_8 = arith.constant 0 : index
    %get3A_9 = arith.constant 0 : index
    %get3A_10 = vector.load %arg3[%get3A_8, %get3A_9] : memref<8x128xf32, #tpu.memory_space<vmem>>, vector<8x128xf32>
    %get3A_11 = arith.constant 0 : index
    %get3A_12 = arith.constant 0 : index
    %get3A_13 = vector.load %arg4[%get3A_11, %get3A_12] : memref<8x128xf32, #tpu.memory_space<vmem>>, vector<8x128xf32>
    %sub3A = arith.subf %get3A_7, %get3A_1 : vector<8x128xf32>
    %max3A = arith.constant 0.000000e+00 : f32
    %max3A_14 = vector.broadcast %max3A : f32 to vector<8x128xf32>
    %max3A_15 = arith.maximumf %sub3A, %max3A_14 : vector<8x128xf32>
    %sub3A_16 = arith.subf %get3A_10, %get3A_4 : vector<8x128xf32>
    %max3A_17 = arith.constant 0.000000e+00 : f32
    %max3A_18 = vector.broadcast %max3A_17 : f32 to vector<8x128xf32>
    %max3A_19 = arith.maximumf %sub3A_16, %max3A_18 : vector<8x128xf32>
    %mul3A = arith.mulf %max3A_15, %max3A_19 : vector<8x128xf32>
    %iota3A = tpu.iota {dimensions = array<i32: 0>} : vector<8x128xi32>
    %mul3A_20 = arith.constant 128 : i32
    %mul3A_21 = vector.broadcast %mul3A_20 : i32 to vector<8x128xi32>
    %mul3A_22 = arith.muli %iota3A, %mul3A_21 : vector<8x128xi32>
    %iota3A_23 = tpu.iota {dimensions = array<i32: 1>} : vector<8x128xi32>
    %add3A = arith.addi %mul3A_22, %iota3A_23 : vector<8x128xi32>
    %convert_element_type3A = arith.sitofp %add3A : vector<8x128xi32> to vector<8x128xf32>
    %scan3A = arith.constant 0 : i32
    %scan3A_24 = arith.constant 0 : i32
    %scan3A_25 = arith.constant 100 : i32
    %scan3A_26 = arith.addi %scan3A_24, %scan3A_25 : i32
    %scan3A_27 = arith.constant 1 : i32
    %scan3A_28:2 = scf.for %scan3A_30 = %scan3A_24 to %scan3A_26 step %scan3A_27 iter_args(%scan3A_31 = %get3A_13, %scan3A_32 = %scan3A) -> (vector<8x128xf32>, i32)  : i32 {
      %reduce_max3A = vector.shape_cast %scan3A_31 : vector<8x128xf32> to vector<1x8x128xf32>
      %reduce_max3A_33 = arith.constant dense<0xFF800000> : vector<1xf32>
      %reduce_max3A_34 = vector.multi_reduction <maximumf>, %reduce_max3A, %reduce_max3A_33 [1, 2] : vector<1x8x128xf32> to vector<1xf32>
      %reduce_max3A_35 = vector.shape_cast %reduce_max3A_34 : vector<1xf32> to vector<1x1x1xf32>
      %reduce_max3A_36 = vector.extract %reduce_max3A_35[0, 0, 0] : f32 from vector<1x1x1xf32>
      %eq3A = vector.broadcast %reduce_max3A_36 : f32 to vector<8x128xf32>
      %eq3A_37 = arith.cmpf oeq, %scan3A_31, %eq3A : vector<8x128xf32>
      %jit3A = arith.constant 2.048000e+03 : f32
      %broadcast_in_dim3A = vector.broadcast %jit3A : f32 to vector<8x128xf32>
      %select_n3A = arith.select %eq3A_37, %convert_element_type3A, %broadcast_in_dim3A : vector<8x128xi1>, vector<8x128xf32>
      %reduce_min3A = vector.shape_cast %select_n3A : vector<8x128xf32> to vector<1x8x128xf32>
      %reduce_min3A_38 = arith.constant dense<0x7F800000> : vector<1xf32>
      %reduce_min3A_39 = vector.multi_reduction <minimumf>, %reduce_min3A, %reduce_min3A_38 [1, 2] : vector<1x8x128xf32> to vector<1xf32>
      %reduce_min3A_40 = vector.shape_cast %reduce_min3A_39 : vector<1xf32> to vector<1x1x1xf32>
      %reduce_min3A_41 = vector.extract %reduce_min3A_40[0, 0, 0] : f32 from vector<1x1x1xf32>
      %gt3A = arith.constant -1.000000e+09 : f32
      %gt3A_42 = arith.cmpf ogt, %reduce_max3A_36, %gt3A : f32
      %convert_element_type3A_43 = arith.fptosi %reduce_min3A_41 : f32 to i32
      %select_n3A_44 = arith.select %gt3A_42, %convert_element_type3A_43, %scan3A_32 : i32
      %eq3A_45 = arith.constant 0 : i32
      %eq3A_46 = arith.cmpi eq, %scan3A_30, %eq3A_45 : i32
      %select_n3A_47 = arith.select %eq3A_46, %select_n3A_44, %scan3A_32 : i32
      %get3A_48 = arith.index_cast %select_n3A_44 : i32 to index
      %get3A_49 = memref.load %arg5[%get3A_48] : memref<1024xf32, #tpu.memory_space<smem>>
      %get3A_50 = arith.index_cast %select_n3A_44 : i32 to index
      %get3A_51 = memref.load %arg6[%get3A_50] : memref<1024xf32, #tpu.memory_space<smem>>
      %get3A_52 = arith.index_cast %select_n3A_44 : i32 to index
      %get3A_53 = memref.load %arg7[%get3A_52] : memref<1024xf32, #tpu.memory_space<smem>>
      %get3A_54 = arith.index_cast %select_n3A_44 : i32 to index
      %get3A_55 = memref.load %arg8[%get3A_54] : memref<1024xf32, #tpu.memory_space<smem>>
      %max3A_56 = vector.broadcast %get3A_49 : f32 to vector<8x128xf32>
      %max3A_57 = arith.maximumf %max3A_56, %get3A_1 : vector<8x128xf32>
      %max3A_58 = vector.broadcast %get3A_51 : f32 to vector<8x128xf32>
      %max3A_59 = arith.maximumf %max3A_58, %get3A_4 : vector<8x128xf32>
      %min3A = vector.broadcast %get3A_53 : f32 to vector<8x128xf32>
      %min3A_60 = arith.minimumf %min3A, %get3A_7 : vector<8x128xf32>
      %min3A_61 = vector.broadcast %get3A_55 : f32 to vector<8x128xf32>
      %min3A_62 = arith.minimumf %min3A_61, %get3A_10 : vector<8x128xf32>
      %sub3A_63 = arith.subf %min3A_60, %max3A_57 : vector<8x128xf32>
      %max3A_64 = arith.constant 0.000000e+00 : f32
      %max3A_65 = vector.broadcast %max3A_64 : f32 to vector<8x128xf32>
      %max3A_66 = arith.maximumf %sub3A_63, %max3A_65 : vector<8x128xf32>
      %sub3A_67 = arith.subf %min3A_62, %max3A_59 : vector<8x128xf32>
      %max3A_68 = arith.constant 0.000000e+00 : f32
      %max3A_69 = vector.broadcast %max3A_68 : f32 to vector<8x128xf32>
      %max3A_70 = arith.maximumf %sub3A_67, %max3A_69 : vector<8x128xf32>
      %mul3A_71 = arith.mulf %max3A_66, %max3A_70 : vector<8x128xf32>
      %sub3A_72 = arith.subf %get3A_53, %get3A_49 : f32
      %max3A_73 = arith.constant 0.000000e+00 : f32
      %max3A_74 = arith.maximumf %sub3A_72, %max3A_73 : f32
      %sub3A_75 = arith.subf %get3A_55, %get3A_51 : f32
      %max3A_76 = arith.constant 0.000000e+00 : f32
      %max3A_77 = arith.maximumf %sub3A_75, %max3A_76 : f32
      %mul3A_78 = arith.mulf %max3A_74, %max3A_77 : f32
      %add3A_79 = vector.broadcast %mul3A_78 : f32 to vector<8x128xf32>
      %add3A_80 = arith.addf %add3A_79, %mul3A : vector<8x128xf32>
      %sub3A_81 = arith.subf %add3A_80, %mul3A_71 : vector<8x128xf32>
      %add3A_82 = arith.constant 9.99999971E-10 : f32
      %add3A_83 = vector.broadcast %add3A_82 : f32 to vector<8x128xf32>
      %add3A_84 = arith.addf %sub3A_81, %add3A_83 : vector<8x128xf32>
      %div3A = arith.divf %mul3A_71, %add3A_84 : vector<8x128xf32>
      %gt3A_85 = arith.constant 5.000000e-01 : f32
      %gt3A_86 = vector.broadcast %gt3A_85 : f32 to vector<8x128xf32>
      %gt3A_87 = arith.cmpf ogt, %div3A, %gt3A_86 : vector<8x128xf32>
      %jit3A_88 = arith.constant -1.000000e+09 : f32
      %broadcast_in_dim3A_89 = vector.broadcast %jit3A_88 : f32 to vector<8x128xf32>
      %select_n3A_90 = arith.select %gt3A_87, %broadcast_in_dim3A_89, %scan3A_31 : vector<8x128xi1>, vector<8x128xf32>
      %swap3A = arith.index_cast %scan3A_30 : i32 to index
      %swap3A_91 = arith.constant 0 : index
      %swap3A_92 = memref.load %arg11[%swap3A, %swap3A_91] : memref<100x8xf32, #tpu.memory_space<smem>>
      memref.store %get3A_49, %arg11[%swap3A, %swap3A_91] : memref<100x8xf32, #tpu.memory_space<smem>>
      %swap3A_93 = arith.index_cast %scan3A_30 : i32 to index
      %swap3A_94 = arith.constant 1 : index
      %swap3A_95 = memref.load %arg11[%swap3A_93, %swap3A_94] : memref<100x8xf32, #tpu.memory_space<smem>>
      memref.store %get3A_51, %arg11[%swap3A_93, %swap3A_94] : memref<100x8xf32, #tpu.memory_space<smem>>
      %swap3A_96 = arith.index_cast %scan3A_30 : i32 to index
      %swap3A_97 = arith.constant 2 : index
      %swap3A_98 = memref.load %arg11[%swap3A_96, %swap3A_97] : memref<100x8xf32, #tpu.memory_space<smem>>
      memref.store %get3A_53, %arg11[%swap3A_96, %swap3A_97] : memref<100x8xf32, #tpu.memory_space<smem>>
      %swap3A_99 = arith.index_cast %scan3A_30 : i32 to index
      %swap3A_100 = arith.constant 3 : index
      %swap3A_101 = memref.load %arg11[%swap3A_99, %swap3A_100] : memref<100x8xf32, #tpu.memory_space<smem>>
      memref.store %get3A_55, %arg11[%swap3A_99, %swap3A_100] : memref<100x8xf32, #tpu.memory_space<smem>>
      %swap3A_102 = arith.index_cast %scan3A_30 : i32 to index
      %swap3A_103 = arith.constant 4 : index
      %swap3A_104 = memref.load %arg11[%swap3A_102, %swap3A_103] : memref<100x8xf32, #tpu.memory_space<smem>>
      memref.store %reduce_max3A_36, %arg11[%swap3A_102, %swap3A_103] : memref<100x8xf32, #tpu.memory_space<smem>>
      %get3A_105 = arith.index_cast %select_n3A_44 : i32 to index
      %get3A_106 = memref.load %arg10[%get3A_105] : memref<1024xi32, #tpu.memory_space<smem>>
      %convert_element_type3A_107 = arith.sitofp %get3A_106 : i32 to f32
      %swap3A_108 = arith.index_cast %scan3A_30 : i32 to index
      %swap3A_109 = arith.constant 5 : index
      %swap3A_110 = memref.load %arg11[%swap3A_108, %swap3A_109] : memref<100x8xf32, #tpu.memory_space<smem>>
      memref.store %convert_element_type3A_107, %arg11[%swap3A_108, %swap3A_109] : memref<100x8xf32, #tpu.memory_space<smem>>
      scf.yield %select_n3A_90, %select_n3A_47 : vector<8x128xf32>, i32
    }
    %scan3A_29 = arith.constant 100 : i32
    return
  }
}

module attributes {stable_mosaic.version = 14 : i64} {
  func.func @_heads_body(%arg0: i32, %arg1: memref<1024x256xf32, #tpu.memory_space<vmem>>, %arg2: memref<4x1024xf32, #tpu.memory_space<vmem>>, %arg3: memref<256x256xf32, #tpu.memory_space<vmem>>, %arg4: memref<256x1xf32, #tpu.memory_space<vmem>>, %arg5: memref<80x256xf32, #tpu.memory_space<vmem>>, %arg6: memref<80x1xf32, #tpu.memory_space<vmem>>, %arg7: memref<256x256xf32, #tpu.memory_space<vmem>>, %arg8: memref<256x1xf32, #tpu.memory_space<vmem>>, %arg9: memref<4x256xf32, #tpu.memory_space<vmem>>, %arg10: memref<4x1xf32, #tpu.memory_space<vmem>>, %arg11: memref<8x128xf32, #tpu.memory_space<vmem>>, %arg12: memref<8x128xi32, #tpu.memory_space<vmem>>, %arg13: memref<8x128xf32, #tpu.memory_space<vmem>>, %arg14: memref<8x128xf32, #tpu.memory_space<vmem>>, %arg15: memref<8x128xf32, #tpu.memory_space<vmem>>, %arg16: memref<8x128xf32, #tpu.memory_space<vmem>>, %arg17: memref<8x128xi32, #tpu.memory_space<vmem>>) attributes {dimension_semantics = [#tpu.dimension_semantics<arbitrary>], iteration_bounds = array<i64: 20>, scalar_prefetch = 0 : i64, scratch_operands = 0 : i64, tpu.core_type = #tpu.core_type<tc>, window_params = [{transform_indices = @transform_0, window_bounds = array<i64: 1024, 256>}, {transform_indices = @transform_1, window_bounds = array<i64: 4, 1024>}, {pipeline_mode = #tpu.pipeline_mode<synchronous>, transform_indices = @transform_2, window_bounds = array<i64: 256, 256>}, {pipeline_mode = #tpu.pipeline_mode<synchronous>, transform_indices = @transform_3, window_bounds = array<i64: 256, 1>}, {pipeline_mode = #tpu.pipeline_mode<synchronous>, transform_indices = @transform_4, window_bounds = array<i64: 80, 256>}, {pipeline_mode = #tpu.pipeline_mode<synchronous>, transform_indices = @transform_5, window_bounds = array<i64: 80, 1>}, {pipeline_mode = #tpu.pipeline_mode<synchronous>, transform_indices = @transform_6, window_bounds = array<i64: 256, 256>}, {pipeline_mode = #tpu.pipeline_mode<synchronous>, transform_indices = @transform_7, window_bounds = array<i64: 256, 1>}, {pipeline_mode = #tpu.pipeline_mode<synchronous>, transform_indices = @transform_8, window_bounds = array<i64: 4, 256>}, {pipeline_mode = #tpu.pipeline_mode<synchronous>, transform_indices = @transform_9, window_bounds = array<i64: 4, 1>}, {transform_indices = @transform_10, window_bounds = array<i64: 8, 128>}, {transform_indices = @transform_11, window_bounds = array<i64: 8, 128>}, {transform_indices = @transform_12, window_bounds = array<i64: 8, 128>}, {transform_indices = @transform_13, window_bounds = array<i64: 8, 128>}, {transform_indices = @transform_14, window_bounds = array<i64: 8, 128>}, {transform_indices = @transform_15, window_bounds = array<i64: 8, 128>}, {transform_indices = @transform_16, window_bounds = array<i64: 8, 128>}]} {
    %get3A = arith.constant 0 : index
    %get3A_0 = arith.constant 0 : index
    %get3A_1 = vector.load %arg1[%get3A, %get3A_0] : memref<1024x256xf32, #tpu.memory_space<vmem>>, vector<1024x256xf32>
    %get3A_2 = arith.constant 0 : index
    %get3A_3 = arith.constant 0 : index
    %get3A_4 = vector.load %arg3[%get3A_2, %get3A_3] : memref<256x256xf32, #tpu.memory_space<vmem>>, vector<256x256xf32>
    %dot_general3A = arith.constant dense<0.000000e+00> : vector<256x1024xf32>
    %dot_general3A_5 = tpu.matmul %get3A_4, %get3A_1, %dot_general3A {dimension_numbers = #tpu.dot_dimension_numbers<[0], [1], [1], [0], [0, 1, 1, 0], [], []>, transpose_lhs_hint = false} : vector<256x256xf32>, vector<1024x256xf32>, vector<256x1024xf32> -> vector<256x1024xf32>
    %get3A_6 = arith.constant 0 : index
    %get3A_7 = arith.constant 0 : index
    %get3A_8 = vector.load %arg4[%get3A_6, %get3A_7] : memref<256x1xf32, #tpu.memory_space<vmem>>, vector<256x1xf32>
    %add3A = vector.broadcast %get3A_8 : vector<256x1xf32> to vector<256x1024xf32>
    %add3A_9 = arith.addf %dot_general3A_5, %add3A : vector<256x1024xf32>
    %max3A = arith.constant 0.000000e+00 : f32
    %max3A_10 = vector.broadcast %max3A : f32 to vector<256x1024xf32>
    %max3A_11 = arith.maximumf %add3A_9, %max3A_10 : vector<256x1024xf32>
    %get3A_12 = arith.constant 0 : index
    %get3A_13 = arith.constant 0 : index
    %get3A_14 = vector.load %arg5[%get3A_12, %get3A_13] : memref<80x256xf32, #tpu.memory_space<vmem>>, vector<80x256xf32>
    %dot_general3A_15 = arith.constant dense<0.000000e+00> : vector<80x1024xf32>
    %dot_general3A_16 = tpu.matmul %get3A_14, %max3A_11, %dot_general3A_15 {dimension_numbers = #tpu.dot_dimension_numbers<[1], [0], [0], [1], [0, 0, 1, 1], [], []>, transpose_lhs_hint = false} : vector<80x256xf32>, vector<256x1024xf32>, vector<80x1024xf32> -> vector<80x1024xf32>
    %get3A_17 = arith.constant 0 : index
    %get3A_18 = arith.constant 0 : index
    %get3A_19 = vector.load %arg6[%get3A_17, %get3A_18] : memref<80x1xf32, #tpu.memory_space<vmem>>, vector<80x1xf32>
    %add3A_20 = vector.broadcast %get3A_19 : vector<80x1xf32> to vector<80x1024xf32>
    %add3A_21 = arith.addf %dot_general3A_16, %add3A_20 : vector<80x1024xf32>
    %reduce_max3A = arith.constant dense<0xFF800000> : vector<1024xf32>
    %reduce_max3A_22 = vector.multi_reduction <maximumf>, %add3A_21, %reduce_max3A [0] : vector<80x1024xf32> to vector<1024xf32>
    %broadcast_in_dim3A = vector.shape_cast %reduce_max3A_22 : vector<1024xf32> to vector<1x1024xf32>
    %iota3A = tpu.iota {dimensions = array<i32: 0>} : vector<80x1024xi32>
    %eq3A = vector.broadcast %broadcast_in_dim3A : vector<1x1024xf32> to vector<80x1024xf32>
    %eq3A_23 = arith.cmpf oeq, %add3A_21, %eq3A : vector<80x1024xf32>
    %jit3A = arith.constant 80 : i32
    %broadcast_in_dim3A_24 = vector.broadcast %jit3A : i32 to vector<80x1024xi32>
    %select_n3A = arith.select %eq3A_23, %iota3A, %broadcast_in_dim3A_24 : vector<80x1024xi1>, vector<80x1024xi32>
    %reduce_min3A = arith.constant dense<2147483647> : vector<1024xi32>
    %reduce_min3A_25 = vector.multi_reduction <minsi>, %select_n3A, %reduce_min3A [0] : vector<80x1024xi32> to vector<1024xi32>
    %broadcast_in_dim3A_26 = vector.shape_cast %reduce_min3A_25 : vector<1024xi32> to vector<1x1024xi32>
    %logistic3A = arith.negf %broadcast_in_dim3A : vector<1x1024xf32>
    %logistic3A_27 = math.exp %logistic3A : vector<1x1024xf32>
    %logistic3A_28 = arith.constant 1.000000e+00 : f32
    %logistic3A_29 = vector.broadcast %logistic3A_28 : f32 to vector<1x1024xf32>
    %logistic3A_30 = arith.addf %logistic3A_29, %logistic3A_27 : vector<1x1024xf32>
    %logistic3A_31 = arith.divf %logistic3A_29, %logistic3A_30 : vector<1x1024xf32>
    %get3A_32 = arith.constant 0 : index
    %get3A_33 = arith.constant 0 : index
    %get3A_34 = vector.load %arg7[%get3A_32, %get3A_33] : memref<256x256xf32, #tpu.memory_space<vmem>>, vector<256x256xf32>
    %dot_general3A_35 = arith.constant dense<0.000000e+00> : vector<256x1024xf32>
    %dot_general3A_36 = tpu.matmul %get3A_34, %get3A_1, %dot_general3A_35 {dimension_numbers = #tpu.dot_dimension_numbers<[0], [1], [1], [0], [0, 1, 1, 0], [], []>, transpose_lhs_hint = false} : vector<256x256xf32>, vector<1024x256xf32>, vector<256x1024xf32> -> vector<256x1024xf32>
    %get3A_37 = arith.constant 0 : index
    %get3A_38 = arith.constant 0 : index
    %get3A_39 = vector.load %arg8[%get3A_37, %get3A_38] : memref<256x1xf32, #tpu.memory_space<vmem>>, vector<256x1xf32>
    %add3A_40 = vector.broadcast %get3A_39 : vector<256x1xf32> to vector<256x1024xf32>
    %add3A_41 = arith.addf %dot_general3A_36, %add3A_40 : vector<256x1024xf32>
    %max3A_42 = arith.constant 0.000000e+00 : f32
    %max3A_43 = vector.broadcast %max3A_42 : f32 to vector<256x1024xf32>
    %max3A_44 = arith.maximumf %add3A_41, %max3A_43 : vector<256x1024xf32>
    %get3A_45 = arith.constant 0 : index
    %get3A_46 = arith.constant 0 : index
    %get3A_47 = vector.load %arg9[%get3A_45, %get3A_46] : memref<4x256xf32, #tpu.memory_space<vmem>>, vector<4x256xf32>
    %dot_general3A_48 = arith.constant dense<0.000000e+00> : vector<4x1024xf32>
    %dot_general3A_49 = tpu.matmul %get3A_47, %max3A_44, %dot_general3A_48 {dimension_numbers = #tpu.dot_dimension_numbers<[1], [0], [0], [1], [0, 0, 1, 1], [], []>, transpose_lhs_hint = false} : vector<4x256xf32>, vector<256x1024xf32>, vector<4x1024xf32> -> vector<4x1024xf32>
    %get3A_50 = arith.constant 0 : index
    %get3A_51 = arith.constant 0 : index
    %get3A_52 = vector.load %arg10[%get3A_50, %get3A_51] : memref<4x1xf32, #tpu.memory_space<vmem>>, vector<4x1xf32>
    %add3A_53 = vector.broadcast %get3A_52 : vector<4x1xf32> to vector<4x1024xf32>
    %add3A_54 = arith.addf %dot_general3A_49, %add3A_53 : vector<4x1024xf32>
    %get3A_55 = arith.constant 0 : index
    %get3A_56 = arith.constant 0 : index
    %get3A_57 = vector.load %arg2[%get3A_55, %get3A_56] : memref<4x1024xf32, #tpu.memory_space<vmem>>, vector<4x1024xf32>
    %slice3A = vector.extract_strided_slice %add3A_54 {offsets = [0, 0], sizes = [1, 1024], strides = [1, 1]} : vector<4x1024xf32> to vector<1x1024xf32>
    %tanh3A = math.tanh %slice3A : vector<1x1024xf32>
    %slice3A_58 = vector.extract_strided_slice %add3A_54 {offsets = [1, 0], sizes = [1, 1024], strides = [1, 1]} : vector<4x1024xf32> to vector<1x1024xf32>
    %tanh3A_59 = math.tanh %slice3A_58 : vector<1x1024xf32>
    %slice3A_60 = vector.extract_strided_slice %add3A_54 {offsets = [2, 0], sizes = [1, 1024], strides = [1, 1]} : vector<4x1024xf32> to vector<1x1024xf32>
    %tanh3A_61 = math.tanh %slice3A_60 : vector<1x1024xf32>
    %slice3A_62 = vector.extract_strided_slice %add3A_54 {offsets = [3, 0], sizes = [1, 1024], strides = [1, 1]} : vector<4x1024xf32> to vector<1x1024xf32>
    %tanh3A_63 = math.tanh %slice3A_62 : vector<1x1024xf32>
    %slice3A_64 = vector.extract_strided_slice %get3A_57 {offsets = [0, 0], sizes = [1, 1024], strides = [1, 1]} : vector<4x1024xf32> to vector<1x1024xf32>
    %slice3A_65 = vector.extract_strided_slice %get3A_57 {offsets = [2, 0], sizes = [1, 1024], strides = [1, 1]} : vector<4x1024xf32> to vector<1x1024xf32>
    %mul3A = arith.mulf %tanh3A, %slice3A_65 : vector<1x1024xf32>
    %add3A_66 = arith.addf %slice3A_64, %mul3A : vector<1x1024xf32>
    %slice3A_67 = vector.extract_strided_slice %get3A_57 {offsets = [1, 0], sizes = [1, 1024], strides = [1, 1]} : vector<4x1024xf32> to vector<1x1024xf32>
    %slice3A_68 = vector.extract_strided_slice %get3A_57 {offsets = [3, 0], sizes = [1, 1024], strides = [1, 1]} : vector<4x1024xf32> to vector<1x1024xf32>
    %mul3A_69 = arith.mulf %tanh3A_59, %slice3A_68 : vector<1x1024xf32>
    %add3A_70 = arith.addf %slice3A_67, %mul3A_69 : vector<1x1024xf32>
    %slice3A_71 = vector.extract_strided_slice %get3A_57 {offsets = [2, 0], sizes = [1, 1024], strides = [1, 1]} : vector<4x1024xf32> to vector<1x1024xf32>
    %exp3A = math.exp %tanh3A_61 : vector<1x1024xf32>
    %mul3A_72 = arith.mulf %slice3A_71, %exp3A : vector<1x1024xf32>
    %slice3A_73 = vector.extract_strided_slice %get3A_57 {offsets = [3, 0], sizes = [1, 1024], strides = [1, 1]} : vector<4x1024xf32> to vector<1x1024xf32>
    %exp3A_74 = math.exp %tanh3A_63 : vector<1x1024xf32>
    %mul3A_75 = arith.mulf %slice3A_73, %exp3A_74 : vector<1x1024xf32>
    %mul3A_76 = arith.constant 1024 : i32
    %mul3A_77 = arith.muli %arg0, %mul3A_76 : i32
    %iota3A_78 = tpu.iota {dimensions = array<i32: 0>} : vector<8x128xi32>
    %mul3A_79 = arith.constant 128 : i32
    %mul3A_80 = vector.broadcast %mul3A_79 : i32 to vector<8x128xi32>
    %mul3A_81 = arith.muli %iota3A_78, %mul3A_80 : vector<8x128xi32>
    %add3A_82 = vector.broadcast %mul3A_77 : i32 to vector<8x128xi32>
    %add3A_83 = arith.addi %add3A_82, %mul3A_81 : vector<8x128xi32>
    %iota3A_84 = tpu.iota {dimensions = array<i32: 1>} : vector<8x128xi32>
    %add3A_85 = arith.addi %add3A_83, %iota3A_84 : vector<8x128xi32>
    %lt3A = arith.constant 20000 : i32
    %lt3A_86 = vector.broadcast %lt3A : i32 to vector<8x128xi32>
    %lt3A_87 = arith.cmpi slt, %add3A_85, %lt3A_86 : vector<8x128xi32>
    %reshape3A = vector.shape_cast %logistic3A_31 : vector<1x1024xf32> to vector<8x128xf32>
    %jit3A_88 = arith.constant -1.000000e+09 : f32
    %broadcast_in_dim3A_89 = vector.broadcast %jit3A_88 : f32 to vector<8x128xf32>
    %select_n3A_90 = arith.select %lt3A_87, %reshape3A, %broadcast_in_dim3A_89 : vector<8x128xi1>, vector<8x128xf32>
    %swap3A = arith.constant 0 : index
    %swap3A_91 = arith.constant 0 : index
    %swap3A_92 = vector.load %arg11[%swap3A, %swap3A_91] : memref<8x128xf32, #tpu.memory_space<vmem>>, vector<8x128xf32>
    tpu.vector_store %arg11[%swap3A, %swap3A_91], %select_n3A_90 {strides = array<i32>} : memref<8x128xf32, #tpu.memory_space<vmem>>, vector<8x128xf32>,
    %bitcast_convert_type3A = tpu.bitcast %select_n3A_90 : vector<8x128xf32> -> vector<8x128xi32>
    %swap3A_93 = arith.constant 0 : index
    %swap3A_94 = arith.constant 0 : index
    %swap3A_95 = vector.load %arg12[%swap3A_93, %swap3A_94] : memref<8x128xi32, #tpu.memory_space<vmem>>, vector<8x128xi32>
    tpu.vector_store %arg12[%swap3A_93, %swap3A_94], %bitcast_convert_type3A {strides = array<i32>} : memref<8x128xi32, #tpu.memory_space<vmem>>, vector<8x128xi32>,
    %mul3A_96 = arith.constant 5.000000e-01 : f32
    %mul3A_97 = vector.broadcast %mul3A_96 : f32 to vector<1x1024xf32>
    %mul3A_98 = arith.mulf %mul3A_97, %mul3A_72 : vector<1x1024xf32>
    %sub3A = arith.subf %add3A_66, %mul3A_98 : vector<1x1024xf32>
    %reshape3A_99 = vector.shape_cast %sub3A : vector<1x1024xf32> to vector<8x128xf32>
    %jit3A_100 = arith.constant 0.000000e+00 : f32
    %broadcast_in_dim3A_101 = vector.broadcast %jit3A_100 : f32 to vector<8x128xf32>
    %select_n3A_102 = arith.select %lt3A_87, %reshape3A_99, %broadcast_in_dim3A_101 : vector<8x128xi1>, vector<8x128xf32>
    %swap3A_103 = arith.constant 0 : index
    %swap3A_104 = arith.constant 0 : index
    %swap3A_105 = vector.load %arg13[%swap3A_103, %swap3A_104] : memref<8x128xf32, #tpu.memory_space<vmem>>, vector<8x128xf32>
    tpu.vector_store %arg13[%swap3A_103, %swap3A_104], %select_n3A_102 {strides = array<i32>} : memref<8x128xf32, #tpu.memory_space<vmem>>, vector<8x128xf32>,
    %mul3A_106 = arith.constant 5.000000e-01 : f32
    %mul3A_107 = vector.broadcast %mul3A_106 : f32 to vector<1x1024xf32>
    %mul3A_108 = arith.mulf %mul3A_107, %mul3A_75 : vector<1x1024xf32>
    %sub3A_109 = arith.subf %add3A_70, %mul3A_108 : vector<1x1024xf32>
    %reshape3A_110 = vector.shape_cast %sub3A_109 : vector<1x1024xf32> to vector<8x128xf32>
    %jit3A_111 = arith.constant 0.000000e+00 : f32
    %broadcast_in_dim3A_112 = vector.broadcast %jit3A_111 : f32 to vector<8x128xf32>
    %select_n3A_113 = arith.select %lt3A_87, %reshape3A_110, %broadcast_in_dim3A_112 : vector<8x128xi1>, vector<8x128xf32>
    %swap3A_114 = arith.constant 0 : index
    %swap3A_115 = arith.constant 0 : index
    %swap3A_116 = vector.load %arg14[%swap3A_114, %swap3A_115] : memref<8x128xf32, #tpu.memory_space<vmem>>, vector<8x128xf32>
    tpu.vector_store %arg14[%swap3A_114, %swap3A_115], %select_n3A_113 {strides = array<i32>} : memref<8x128xf32, #tpu.memory_space<vmem>>, vector<8x128xf32>,
    %mul3A_117 = arith.constant 5.000000e-01 : f32
    %mul3A_118 = vector.broadcast %mul3A_117 : f32 to vector<1x1024xf32>
    %mul3A_119 = arith.mulf %mul3A_118, %mul3A_72 : vector<1x1024xf32>
    %add3A_120 = arith.addf %add3A_66, %mul3A_119 : vector<1x1024xf32>
    %reshape3A_121 = vector.shape_cast %add3A_120 : vector<1x1024xf32> to vector<8x128xf32>
    %jit3A_122 = arith.constant 0.000000e+00 : f32
    %broadcast_in_dim3A_123 = vector.broadcast %jit3A_122 : f32 to vector<8x128xf32>
    %select_n3A_124 = arith.select %lt3A_87, %reshape3A_121, %broadcast_in_dim3A_123 : vector<8x128xi1>, vector<8x128xf32>
    %swap3A_125 = arith.constant 0 : index
    %swap3A_126 = arith.constant 0 : index
    %swap3A_127 = vector.load %arg15[%swap3A_125, %swap3A_126] : memref<8x128xf32, #tpu.memory_space<vmem>>, vector<8x128xf32>
    tpu.vector_store %arg15[%swap3A_125, %swap3A_126], %select_n3A_124 {strides = array<i32>} : memref<8x128xf32, #tpu.memory_space<vmem>>, vector<8x128xf32>,
    %mul3A_128 = arith.constant 5.000000e-01 : f32
    %mul3A_129 = vector.broadcast %mul3A_128 : f32 to vector<1x1024xf32>
    %mul3A_130 = arith.mulf %mul3A_129, %mul3A_75 : vector<1x1024xf32>
    %add3A_131 = arith.addf %add3A_70, %mul3A_130 : vector<1x1024xf32>
    %reshape3A_132 = vector.shape_cast %add3A_131 : vector<1x1024xf32> to vector<8x128xf32>
    %jit3A_133 = arith.constant 0.000000e+00 : f32
    %broadcast_in_dim3A_134 = vector.broadcast %jit3A_133 : f32 to vector<8x128xf32>
    %select_n3A_135 = arith.select %lt3A_87, %reshape3A_132, %broadcast_in_dim3A_134 : vector<8x128xi1>, vector<8x128xf32>
    %swap3A_136 = arith.constant 0 : index
    %swap3A_137 = arith.constant 0 : index
    %swap3A_138 = vector.load %arg16[%swap3A_136, %swap3A_137] : memref<8x128xf32, #tpu.memory_space<vmem>>, vector<8x128xf32>
    tpu.vector_store %arg16[%swap3A_136, %swap3A_137], %select_n3A_135 {strides = array<i32>} : memref<8x128xf32, #tpu.memory_space<vmem>>, vector<8x128xf32>,
    %reshape3A_139 = vector.shape_cast %broadcast_in_dim3A_26 : vector<1x1024xi32> to vector<8x128xi32>
    %jit3A_140 = arith.constant 0 : i32
    %broadcast_in_dim3A_141 = vector.broadcast %jit3A_140 : i32 to vector<8x128xi32>
    %select_n3A_142 = arith.select %lt3A_87, %reshape3A_139, %broadcast_in_dim3A_141 : vector<8x128xi1>, vector<8x128xi32>
    %swap3A_143 = arith.constant 0 : index
    %swap3A_144 = arith.constant 0 : index
    %swap3A_145 = vector.load %arg17[%swap3A_143, %swap3A_144] : memref<8x128xi32, #tpu.memory_space<vmem>>, vector<8x128xi32>
    tpu.vector_store %arg17[%swap3A_143, %swap3A_144], %select_n3A_142 {strides = array<i32>} : memref<8x128xi32, #tpu.memory_space<vmem>>, vector<8x128xi32>,
    return
  }
  func.func @transform_0(%arg0: i32) -> (i32, i32) {
    %c0_i32 = arith.constant 0 : i32
    %c0_i32_0 = arith.constant 0 : i32
    return %arg0, %c0_i32 : i32, i32
  }
  func.func @transform_1(%arg0: i32) -> (i32, i32) {
    %c0_i32 = arith.constant 0 : i32
    %c0_i32_0 = arith.constant 0 : i32
    return %c0_i32, %arg0 : i32, i32
  }
  func.func @transform_2(%arg0: i32) -> (i32, i32) {
    %c0_i32 = arith.constant 0 : i32
    %c0_i32_0 = arith.constant 0 : i32
    %c0_i32_1 = arith.constant 0 : i32
    return %c0_i32, %c0_i32_0 : i32, i32
  }
  func.func @transform_3(%arg0: i32) -> (i32, i32) {
    %c0_i32 = arith.constant 0 : i32
    %c0_i32_0 = arith.constant 0 : i32
    %c0_i32_1 = arith.constant 0 : i32
    return %c0_i32, %c0_i32_0 : i32, i32
  }
  func.func @transform_4(%arg0: i32) -> (i32, i32) {
    %c0_i32 = arith.constant 0 : i32
    %c0_i32_0 = arith.constant 0 : i32
    %c0_i32_1 = arith.constant 0 : i32
    return %c0_i32, %c0_i32_0 : i32, i32
  }
  func.func @transform_5(%arg0: i32) -> (i32, i32) {
    %c0_i32 = arith.constant 0 : i32
    %c0_i32_0 = arith.constant 0 : i32
    %c0_i32_1 = arith.constant 0 : i32
    return %c0_i32, %c0_i32_0 : i32, i32
  }
  func.func @transform_6(%arg0: i32) -> (i32, i32) {
    %c0_i32 = arith.constant 0 : i32
    %c0_i32_0 = arith.constant 0 : i32
    %c0_i32_1 = arith.constant 0 : i32
    return %c0_i32, %c0_i32_0 : i32, i32
  }
  func.func @transform_7(%arg0: i32) -> (i32, i32) {
    %c0_i32 = arith.constant 0 : i32
    %c0_i32_0 = arith.constant 0 : i32
    %c0_i32_1 = arith.constant 0 : i32
    return %c0_i32, %c0_i32_0 : i32, i32
  }
  func.func @transform_8(%arg0: i32) -> (i32, i32) {
    %c0_i32 = arith.constant 0 : i32
    %c0_i32_0 = arith.constant 0 : i32
    %c0_i32_1 = arith.constant 0 : i32
    return %c0_i32, %c0_i32_0 : i32, i32
  }
  func.func @transform_9(%arg0: i32) -> (i32, i32) {
    %c0_i32 = arith.constant 0 : i32
    %c0_i32_0 = arith.constant 0 : i32
    %c0_i32_1 = arith.constant 0 : i32
    return %c0_i32, %c0_i32_0 : i32, i32
  }
  func.func @transform_10(%arg0: i32) -> (i32, i32) {
    %c0_i32 = arith.constant 0 : i32
    %c0_i32_0 = arith.constant 0 : i32
    return %arg0, %c0_i32 : i32, i32
  }
  func.func @transform_11(%arg0: i32) -> (i32, i32) {
    %c0_i32 = arith.constant 0 : i32
    %c0_i32_0 = arith.constant 0 : i32
    return %arg0, %c0_i32 : i32, i32
  }
  func.func @transform_12(%arg0: i32) -> (i32, i32) {
    %c0_i32 = arith.constant 0 : i32
    %c0_i32_0 = arith.constant 0 : i32
    return %arg0, %c0_i32 : i32, i32
  }
  func.func @transform_13(%arg0: i32) -> (i32, i32) {
    %c0_i32 = arith.constant 0 : i32
    %c0_i32_0 = arith.constant 0 : i32
    return %arg0, %c0_i32 : i32, i32
  }
  func.func @transform_14(%arg0: i32) -> (i32, i32) {
    %c0_i32 = arith.constant 0 : i32
    %c0_i32_0 = arith.constant 0 : i32
    return %arg0, %c0_i32 : i32, i32
  }
  func.func @transform_15(%arg0: i32) -> (i32, i32) {
    %c0_i32 = arith.constant 0 : i32
    %c0_i32_0 = arith.constant 0 : i32
    return %arg0, %c0_i32 : i32, i32
  }
  func.func @transform_16(%arg0: i32) -> (i32, i32) {
    %c0_i32 = arith.constant 0 : i32
    %c0_i32_0 = arith.constant 0 : i32
    return %arg0, %c0_i32 : i32, i32
  }
}

</mosaic_0001>

<sc_bundles>
// kernel: kernel.10.cloned.1.call-start
scs
__scs_entry_jumppad:
0x0: {  	(pc) =	sbr.rel $0x88, $3  }
0x1: {  	(tag) =	ssettag $0x0;
	lr =	simm.s32 $0x1  }
0x2: {  	[smem:$0x3F97] =	sst lr;
	_ =	strace $0xD0000000  }
0x3: {  	_ = 	snop  }
0x4: {  	_ = 	snop  }
0x5: {  	_ = 	snop  }
0x6: {  	_ = 	snop  }
0x7: {  	_ = 	snop  }
__scs_overlays_trampoline_lowered:
0x8: {  	[smem:$0x3FA6] =	sst s0  }
0x9: {  	[smem:$0x3FA7] =	sst s1  }
0xa: {  	[smem:$0x3FA8] =	sst s2  }
0xb: {  	[smem:$0x3FA9] =	sst s3  }
0xc: {  	[smem:$0x3FAA] =	sst s4  }
0xd: {  	[smem:$0x3FAB] =	sst s5  }
0xe: {  	[smem:$0x3FAC] =	sst s6  }
0xf: {  	[smem:$0x3FAD] =	sst s7  }
0x10: {  	[smem:$0x3FAE] =	sst s8  }
0x11: {  	[smem:$0x3FAF] =	sst s9;
	s0 =	simm.s32 @!p0 $0x0  }
0x12: {  	s1 =	sld [smem:$0x3F95];
	s0 =	simm.s32 @p0 $0x1  }
0x13: {  	[smem:$0x3FB0] =	sst s0;
	s0 =	simm.s32 @!p1 $0x0  }
0x14: {  	s2 =	sld [smem:$0x3F94];
	s0 =	simm.s32 @p1 $0x1  }
0x15: {  	[smem:$0x3FB1] =	sst s0;
	s0 =	simm.s32 @!p2 $0x0  }
0x16: {  	s3 =	sld [smem:$0x3FDB];
	s0 =	simm.s32 @p2 $0x1  }
0x17: {  	s4 =	simm.s32 $0x1BF5;
	[smem:$0x3FB3] =	sst s0  }
0x18: {  	s0 =	sld [smem:$0x3F96];
	_ =	swait.ge [sflag:s4], $0x0  }
0x19: {  	s7 =	sld [smem:$0x3F97]  }
0x1a: {  	s8 =	sadd.s32 $0xFFFFE003, lr  }
0x1b: {  	s9 =	sadd.s32 $0xFFFFFEF7, lr;
	s5 =	simm.s32 $0xFFFFFFFF;
	p2 =	slt.u32 s8, $0xFFFFF086  }
0x1c: {  	p1 =	slt.u32 s9, $0xF7A;
	s5 =	simm.s32 @!p2 $0x0  }
0x1d: {  	s5 =	simm.s32 @p1 $0x1;
	p0 =	seq.s32 s7, s2  }
0x1e: {  	s7 =	smul.u32 @!p0 $0xF7A, s2;
	p2 =	seq.s32 @!p0 s5, $0x0  }
0x1f: {  	s9 =	smul.u32 $0xF7A, s1;
	s8 =	simm.s32 @!p0 $0x1BF5;
	p2 =	por !p2, p0  }
0x20: {  	[sflag:s8] =	ssyncset.s32 @!p0 $0xFFFFF086;
	s6 =	sadd.s32 @!p0 s3, s7;
	s7 =	simm.s32 @!p0 $0x108  }
0x21: {  	s3 =	sadd.s32 s3, s9;
	s6 =	sadd.s32 @!p0 $0x88, s6;
	s7 =	simm.s32 @p2 $0x1082  }
0x22: {  	[simem:s7], [sflag:s8] =	dma.local @!p0 [hbm:s6], $0xF7A  }
0x23: {  	s9 =	sor.u32 $0xD0000000, s2;
	s6 =	simm.s32 $0x108;
	_ =	swait.ge @!p0 [sflag:s8], $0x0  }
0x24: {  	s3 =	sadd.s32 $0x88, s3;
	s6 =	simm.s32 @!p1 $0x1082;
	[sflag:s4] =	ssyncset.s32 $0xFFFFF086  }
0x25: {  	[simem:s6], [sflag:s4] =	dma.local [hbm:s3], $0xF7A  }
0x26: {  	[smem:$0x3F97] =	sst s1;
	(tag) =	ssettag s2;
	_ =	strace s9  }
0x27: {  	s1 =	sld [smem:$0x3FA7]  }
0x28: {  	s2 =	sld [smem:$0x3FA8]  }
0x29: {  	s4 =	sld [smem:$0x3FAA]  }
0x2a: {  	p0 =	seq.s32 s5, $0x0;
	s5 =	sld [smem:$0x3FAB]  }
0x2b: {  	s6 =	sld [smem:$0x3FAC]  }
0x2c: {  	s7 =	sld [smem:$0x3FAD]  }
0x2d: {  	s3 =	simm.s32 $0x108;
	s8 =	sld [smem:$0x3FAE]  }
0x2e: {  	s3 =	simm.s32 @!p0 $0x1082;
	s9 =	sld [smem:$0x3FAF]  }
0x2f: {  	lr =	sadd.s32 s0, s3;
	s0 =	sld [smem:$0x3FA6]  }
0x30: {  	s3 =	sld [smem:$0x3FA9]  }
0x31: {  	[smem:$0x3FB2] =	sst s10  }
0x32: {  	s10 =	sld [smem:$0x3FB0];
	_ =	sdelay $0x3  }
0x33: {  	p0 =	seq.s32 s10, $0x1;
	s10 =	sld [smem:$0x3FB2];
	_ =	sdelay $0x3  }
0x34: {  	[smem:$0x3FB2] =	sst s10  }
0x35: {  	s10 =	sld [smem:$0x3FB1];
	_ =	sdelay $0x3  }
0x36: {  	p1 =	seq.s32 s10, $0x1;
	s10 =	sld [smem:$0x3FB2];
	_ =	sdelay $0x3  }
0x37: {  	[smem:$0x3FB2] =	sst s10  }
0x38: {  	s10 =	sld [smem:$0x3FB3]  }
0x39: {  	_ = 	snop;
	(pc) =	sbr.ind lr, $3  }
0x3a: {  	_ = 	snop  }
0x3b: {  	_ = 	snop  }
0x3c: {  	p2 =	seq.s32 s10, $0x1;
	s10 =	sld [smem:$0x3FB2]  }
0x3d: {  	_ =	shalt  }
0x3e: {  	_ =	shalt  }
0x3f: {  	_ =	shalt  }
0x40: {  	_ =	shalt  }
0x41: {  	_ =	shalt  }
0x42: {  	_ =	shalt  }
0x43: {  	_ =	shalt  }
0x44: {  	_ =	shalt  }
0x45: {  	_ =	shalt  }
0x46: {  	_ =	shalt  }
0x47: {  	_ =	shalt  }
0x48: {  	_ =	shalt  }
0x49: {  	_ =	shalt  }
0x4a: {  	_ =	shalt  }
0x4b: {  	_ =	shalt  }
0x4c: {  	_ =	shalt  }
0x4d: {  	_ =	shalt  }
0x4e: {  	_ =	shalt  }
0x4f: {  	_ =	shalt  }
0x50: {  	_ =	shalt  }
0x51: {  	_ =	shalt  }
0x52: {  	_ =	shalt  }
0x53: {  	_ =	shalt  }
0x54: {  	_ =	shalt  }
0x55: {  	_ =	shalt  }
0x56: {  	_ =	shalt  }
0x57: {  	_ =	shalt  }
0x58: {  	_ =	shalt  }
0x59: {  	_ =	shalt  }
0x5a: {  	_ =	shalt  }
0x5b: {  	_ =	shalt  }
0x5c: {  	_ =	shalt  }
0x5d: {  	_ =	shalt  }
0x5e: {  	_ =	shalt  }
0x5f: {  	_ =	shalt  }
0x60: {  	_ =	shalt  }
0x61: {  	_ =	shalt  }
0x62: {  	_ =	shalt  }
0x63: {  	_ =	shalt  }
0x64: {  	_ =	shalt  }
0x65: {  	_ =	shalt  }
0x66: {  	_ =	shalt  }
0x67: {  	_ =	shalt  }
0x68: {  	_ =	shalt  }
0x69: {  	_ =	shalt  }
0x6a: {  	_ =	shalt  }
0x6b: {  	_ =	shalt  }
0x6c: {  	_ =	shalt  }
0x6d: {  	_ =	shalt  }
0x6e: {  	_ =	shalt  }
0x6f: {  	_ =	shalt  }
0x70: {  	_ =	shalt  }
0x71: {  	_ =	shalt  }
0x72: {  	_ =	shalt  }
0x73: {  	_ =	shalt  }
0x74: {  	_ =	shalt  }
0x75: {  	_ =	shalt  }
0x76: {  	_ =	shalt  }
0x77: {  	_ =	shalt  }
0x78: {  	_ =	shalt  }
0x79: {  	_ =	shalt  }
0x7a: {  	_ =	shalt  }
0x7b: {  	_ =	shalt  }
0x7c: {  	_ =	shalt  }
0x7d: {  	_ =	shalt  }
0x7e: {  	_ =	shalt  }
0x7f: {  	_ =	shalt  }
0x80: {  	_ =	shalt  }
0x81: {  	_ =	shalt  }
0x82: {  	_ =	shalt  }
0x83: {  	_ =	shalt  }
0x84: {  	_ =	shalt  }
0x85: {  	_ =	shalt  }
0x86: {  	_ =	shalt  }
0x87: {  	_ =	shalt  }
.Lfunc_end0:
.L_simem_size_0:
called_computation.1_lowered:
.L_overlay_start_0:
0x88: {  	s2 =	sld [smem:$0x3FD9]  }
0x89: {  	s3 =	sld [smem:$0x3FFE];
	_ =	sdelay $0x1  }
0x8a: {  	s1 =	srdreg.scid  }
0x8b: {  	s0 =	sand.u32 $0x1, s1  }
0x8c: {  	s14 =	sshll.u32 s0, $0xA;
	s2 =	sadd.s32 s3, s2  }
0x8d: {  	s2 =	sadd.s32 s2, s14  }
0x8e: {  	[smem:$0x3FBE] =	sst s2  }
0x8f: {  	_ = 	snop  }
0x90: {  	s2 =	sld [smem:$0x3FD0];
	_ =	sdelay $0x2  }
0x91: {  	s15 =	simm.s32 $0xA;
	s4 =	simm.s32 $0x10  }
0x92: {  	[smem:s4], [sflag:s15] =	dma.local [hbm:s2], $0x1  }
0x93: {  	_ =	swait.eq [sflag:s15], $0x1  }
0x94: {  	[sflag:s15] =	ssyncset.done $0x0  }
0x95: {  	[sflag:s15] =	ssyncadd.s32 $0xFFFFFFFF  }
0x96: {  	s16 =	sld [smem:$0x10];
	(tm) =	ssettm $0x1  }
0x97: {  	s17 =	sld [smem:$0x3FFB];
	_ =	sdelay $0x3  }
0x98: {  	_ =	strace s17  }
0x99: {  	s3 =	sld [smem:$0x3FFC];
	_ =	sdelay $0x3  }
0x9a: {  	_ =	strace s3  }
0x9b: {  	s3 =	sld [smem:$0x3FFD];
	_ =	sdelay $0x3  }
0x9c: {  	_ =	strace s3  }
0x9d: {  	_ =	strace $0x8FFFFFFF  }
0x9e: {  	s18 =	sld [smem:$0x3FDB];
	_ =	sdelay $0x1  }
0x9f: {  	s19 =	simm.s32 $_scs_section_size  }
0xa0: {  	s5 =	simm.s32 $_size__tile_overlayer_lowered;
	s6 =	simm.s32 $_tile_overlayer_lowered  }
0xa1: {  	s22 =	simm.s32 $0x1BFF;
	s21 =	sshll.u32 s6, $0x1;
	s3 =	sadd.s32 s19, s18  }
0xa2: {  	s7 =	simm.s32 $0x0;
	s20 =	sshll.u32 s5, $0x1;
	s5 =	sadd.s32 s21, s3  }
0xa3: {  	[timem:s7], [sflag:s22] =	dma.local [hbm:s5], s20  }
0xa4: {  	_ =	swait.ge [sflag:s22], s20  }
0xa5: {  	s4 =	ssub.s32 $0x0, s20;
	[sflag:s22] =	ssyncset.done $0x0  }
0xa6: {  	[sflag:s22] =	ssyncadd.s32 s4;
	_ =	sdelay $0x1  }
0xa7: {  	s23 =	simm.s32 $0x1B8B  }
0xa8: {  	_ =	swait.ge [sflag:s23], $0x1  }
0xa9: {  	[sflag:s23] =	ssyncset.done $0x0  }
0xaa: {  	s25 =	simm.s32 $0x1B8E;
	s24 =	sld [smem:$0x3FFE];
	[sflag:s23] =	ssyncadd.s32 $0xFFFFFFFF  }
0xab: {  	s26 =	simm.s32 $execute0_lowered;
	[smem:$0x3FD2] =	sst s25  }
0xac: {  	s5 =	sshll.u32 s26, $0x1;
	_ =	strace $0x80000049;
	[dreg:$0x1] =	wrdreg $0xFFFFFFFF  }
0xad: {  	s28 =	simm.s32 $_size_execute0_lowered;
	s3 =	sadd.s32 s3, s5;
	[dreg:$0x0] =	wrdreg $0x0  }
0xae: {  	s5 =	sshll.u32 s28, $0x1;
	[dreg:$0x2] =	wrdreg s3  }
0xaf: {  	[dreg:$0x3] =	wrdreg s5  }
0xb0: {  	[dreg:$0x4] =	wrdreg $0xC0  }
0xb1: {  	_ =	task [dreg:s7], $0x5FFFF  }
0xb2: {  	[dreg:$0x1] =	wrdreg $0xFFFFFFFF  }
0xb3: {  	[dreg:$0x0] =	wrdreg $0x60  }
0xb4: {  	[dreg:$0x2] =	wrdreg s24  }
0xb5: {  	[dreg:$0x3] =	wrdreg s16  }
0xb6: {  	[dreg:$0x4] =	wrdreg $0x9  }
0xb7: {  	_ =	task.clear_ibuf [dreg:s7], $0x5FFFF;
	_ =	strace $0x90000049  }
0xb8: {  	s29 =	simm.s32 $0x9;
	_ =	strace $0x8000004B  }
0xb9: {  	_ =	swait.ge [sflag:s29], $0x1  }
0xba: {  	[sflag:s29] =	ssyncadd.s32 $0xFFFFFFFF  }
0xbb: {  	_ =	strace $0x9000004B  }
0xbc: {  	_ =	sfence  }
0xbd: {  	s30 =	sld [smem:$0x0];
	_ =	sdelay $0x2  }
0xbe: {  	s31 =	sshll.u32 s1, $0xD;
	s1 =	sshrl.u32 s1, $0x2  }
0xbf: {  	s3 =	sand.u32 $0x4000, s31;
	s1 =	sadd.s32 s1, s30  }
0xc0: {  	s0 =	sor.u32 s3, s0;
	s1 =	sshll.u32 s1, $0x11  }
0xc1: {  	s0 =	sor.u32 s1, s0  }
0xc2: {  	s0 =	sadd.s32 $0x8F2B, s0  }
0xc3: {  	[sflag:s0] =	ssyncadd.remote.s32 $0x1  }
0xc4: {  	_ =	sfence.sel $0xFFFF  }
0xc5: {  	[dreg:$0x0] =	wrdreg $0xFFFFFFFF;
	(pc) =	sbr.abs _section_cstart, $3  }
0xc6: {  	[dreg:$0x1] =	wrdreg $0xFFFFFFFF  }
0xc7: {  	_ =	task.clear_ibuf [dreg:s7], $0x2FFFF;
	_ =	strace $0x9FFFFFFF  }
0xc8: {  	(tm) =	ssettm $0x7FFFFFFF  }
0xc9: {  	_ =	shalt  }
tec
execute0_lowered:
.L_overlay_start_1:
0x0: {  	(tag) =	ssettag $0x1  }
0x1: {  	s0 =	rddreg [dreg:$0x0]  }
0x2: {  	s11 =	rddreg [dreg:$0x1]  }
0x3: {  	s1 =	simm.s32 $0x0;
	s6 =	srdreg.scid;
	s2 =	stileid.u32  }
0x4: {  	s18 =	simm.s32 $0x2;
	s19 =	simm.s32 $0x20;
	s20 =	simm.s32 $0x200  }
0x5: {  	s21 =	simm.s32 $0x280;
	s22 =	simm.s32 $0x1;
	s23 =	simm.s32 $0x300  }
0x6: {  	s26 =	simm.s32 $0x480;
	s28 =	simm.s32 $0x500;
	s29 =	simm.s32 $0x580  }
0x7: {  	s30 =	simm.s32 $0x0;
	[smem:$0x7FF] =	sst s1;
	s3 =	sadd.s32 $0x8000, s0  }
0x8: {  	s4 =	sadd.s32 $0x8C00, s0;
	s5 =	sadd.s32 $0x3A00, s0;
	s10 =	sand.u32 $0x1, s6  }
0x9: {  	s6 =	sadd.s32 $0x6200, s0;
	s9 =	sshll.u32 s2, $0x6;
	s7 =	sadd.s32 $0x6C00, s0  }
0xa: {  	s8 =	sadd.s32 $0x7600, s0;
	_ =	strace $0x8000004A;
	s12 =	sshll.u32 s10, $0x5  }
0xb: {  	v1 =	vlaneseq.u32;
	s13 =	ssub.s32 $0x2, s10;
	s10 =	sadd.s32 $0x4E00, s0;
	s24 =	sor.u32 s12, s9  }
0xc: {  	v3 =	vor.u32 $0xFFFFFD70, v1;
	s9 =	sadd.s32 $0x4400, s0;
	s14 =	sshrl.u32 s13, $0x1;
	s12 =	sshrl.u32 s24, $0x3  }
0xd: {  	s17 =	ssub.s32 s13, s14;
	s25 =	sor.u32 $0x10, s24;
	v0 =	vor.u32 s24, v1;
	v2 =	vadd.s32 s24, v3;
	s24 =	simm.s32 $0x380  }
0xe: {  	s0 =	sadd.s32 s12, s0;
	s11 =	sadd.s32 s11, s12;
	s17 =	smax.u32 s17, $0x1  }
0xf: {  	v1 =	vor.u32 s25, v1;
	v3 =	vadd.s32 s25, v3;
	s25 =	simm.s32 $0x400;
	s12 =	sadd.s32 $0x5800, s0;
	s13 =	sadd.s32 $0x5A00, s0  }
0x10: {  	v4 =	vimm.s32 $0x0;
	vm1 =	vlt.u32 v0, $0x3E8;
	s14 =	sadd.s32 $0x5C00, s0;
	s15 =	sadd.s32 $0x5E00, s0;
	s16 =	sadd.s32 $0x6000, s0;
	vm0 =	vlt.u32 v1, $0x3E8  }
.LBB2_1:
0x11: {  	[tilespmem:s1], [sflag:$0x2] =	stream.linear.gather [hbm4b:s4+s1], $0x200, $0x38;
	[tilespmem:$0x600] =	vst v63  }
0x12: {  	_ =	swait.ge [sflag:s18], $0x200  }
0x13: {  	[sflag:s18] =	ssyncset.done $0x0  }
0x14: {  	s0 =	simm.s32 $0x0;
	[sflag:s18] =	ssyncadd.s32 $0xFFFFFE00  }
0x15: {  	v5 =	vld [tilespmem:s0+$0x0]  }
0x16: {  	s2 =	simm.s32 $0x10  }
0x17: {  	v6 =	vld [tilespmem:s2+$0x0];
	_ =	sdelay $0x2  }
0x18: {  	(v2sf) =	vpush v5, $0x0;
	_ =	sdelay $0x1  }
0x19: {  	(v2sf) =	vpush v6, $0x0;
	_ =	sdelay $0x3  }
0x1a: {  	s31 =	simm.s32 $0x20  }
0x1b: {  	v9 =	vld [tilespmem:s31+$0x0];
	_ =	sdelay $0x2  }
0x1c: {  	v10 =	vmov s1;
	v8 =	vimm.s32 $0x0  }
0x1d: {  	v7 =	vimm.s32 $0x0;
	s0 =	simm.s32 $0xC0;
	s31 =	simm.s32 $0x0;
	v5 =	vimm.s32 $0x0;
	v6 =	vimm.s32 $0x0  }
.LBB2_2:
0x1e: {  	s2 =	sshra.s32 s0, $0x2;
	p0 =	sne.s32 s0, $0x7C0;
	s0 =	sadd.s32 $0x40, s0;
	(v2sf) =	vpush v9, $0x0;
	vm2 =	vle.s32 v10, v0;
	vm3 =	vle.s32 v10, v1  }
.Ltmp0:
0x1f: {  	v9 =	vld [tilespmem:s2+$0x0];
	v10 =	vsel vm2, $0x1, v4;
	v11 =	vsel vm3, $0x1, v4;
	v5 =	vsel vm2, s31, v5;
	(pc) =	sbr.rel @p0 .LBB2_2-.Ltmp0, $4  }
0x20: {  	v6 =	vsel vm3, s31, v6;
	v8 =	vadd.s32 v10, v8;
	v7 =	vadd.s32 v11, v7  }
0x21: {  	s2 =	spop (v2sf)  }
0x22: {  	s31 =	sadd.s32 s31, s2  }
0x23: {  	v10 =	vmov s31  }
0x24: {  	_ =	sdelay $0x5  }
0x25: {  	(v2sf) =	vpush v9, $0x0;
	_ =	sdelay $0x1  }
0x26: {  	s0 =	spop (v2sf);
	vm2 =	vle.s32 v10, v0;
	vm3 =	vle.s32 v10, v1  }
0x27: {  	s0 =	sadd.s32 s31, s0;
	v57 =	vsel vm2, $0x1, v4;
	v11 =	vsel vm3, $0x1, v4;
	s2 =	spop (v2sf)  }
0x28: {  	v58 =	vmov s0;
	v8 =	vadd.s32 v57, v8;
	v7 =	vadd.s32 v11, v7;
	s2 =	sadd.s32 s0, s2  }
0x29: {  	vm4 =	vle.s32 v58, v0;
	vm5 =	vle.s32 v58, v1;
	v60 =	vmov s2  }
0x2a: {  	v59 =	vsel vm4, $0x1, v4;
	v61 =	vsel vm5, $0x1, v4;
	vm6 =	vle.s32 v60, v0  }
0x2b: {  	v8 =	vadd.s32 v59, v8;
	vm7 =	vle.s32 v60, v1;
	v62 =	vsel vm6, $0x1, v4  }
0x2c: {  	v7 =	vadd.s32 v61, v7;
	v63 =	vsel vm7, $0x1, v4;
	v8 =	vadd.s32 v62, v8  }
0x2d: {  	v5 =	vsel vm2, s31, v5;
	v7 =	vadd.s32 v63, v7;
	v8 =	vmul.u32 $0x290, v8  }
0x2e: {  	v6 =	vsel vm3, s31, v6;
	v5 =	vsel vm4, s0, v5;
	v7 =	vmul.u32 $0x290, v7  }
0x2f: {  	v6 =	vsel vm5, s0, v6;
	v5 =	vsel vm6, s2, v5;
	v8 =	vadd.s32 v8, v2  }
0x30: {  	v6 =	vsel vm7, s2, v6;
	v7 =	vadd.s32 v7, v3;
	v5 =	vsub.s32 v8, v5  }
0x31: {  	v6 =	vsub.s32 v7, v6;
	v5 =	vnsel vm1, $0x0, v5  }
0x32: {  	v6 =	vnsel vm0, $0x0, v6;
	[tilespmem:$0x200] =	vst v5  }
0x33: {  	s31 =	spop (v2sf);
	[tilespmem:$0x210] =	vst v6  }
0x34: {  	[tilespmem:s21], [sflag:$0x1] =	stream.indirect.gather [hbm4b:s3+s19], $0x1, s20, s19, $0xb8;
	[tilespmem:$0x600] =	vst v63  }
0x35: {  	_ =	swait.ge [sflag:s22], $0x20  }
0x36: {  	[sflag:s22] =	ssyncset.done $0x0  }
0x37: {  	[sflag:s22] =	ssyncadd.s32 $0xFFFFFFE0  }
0x38: {  	v5 =	vld [tilespmem:$0x280]  }
0x39: {  	v6 =	vld [tilespmem:$0x290];
	_ =	sdelay $0x3  }
0x3a: {  	v5 =	vnsel vm1, $0x4E20, v5  }
0x3b: {  	v6 =	vnsel vm0, $0x4E20, v6;
	[tilespmem:$0x280] =	vst v5  }
0x3c: {  	[tilespmem:$0x290] =	vst v6  }
0x3d: {  	[tilespmem:s23], [sflag:$0x1] =	stream.indirect.gather [hbm4b:s5+s19], $0x1, s21, s19, $0xb8;
	[tilespmem:$0x600] =	vst v63  }
0x3e: {  	_ = 	snop  }
0x3f: {  	[tilespmem:s24], [sflag:$0x1] =	stream.indirect.gather [hbm4b:s6+s19], $0x1, s21, s19, $0xb8;
	[tilespmem:$0x600] =	vst v63  }
0x40: {  	_ = 	snop  }
0x41: {  	[tilespmem:s25], [sflag:$0x1] =	stream.indirect.gather [hbm4b:s7+s19], $0x1, s21, s19, $0xb8;
	[tilespmem:$0x600] =	vst v63  }
0x42: {  	_ = 	snop  }
0x43: {  	[tilespmem:s26], [sflag:$0x1] =	stream.indirect.gather [hbm4b:s8+s19], $0x1, s21, s19, $0xb8;
	[tilespmem:$0x600] =	vst v63  }
0x44: {  	_ = 	snop  }
0x45: {  	[tilespmem:s28], [sflag:$0x1] =	stream.indirect.gather [hbm4b:s9+s19], $0x1, s21, s19, $0xb8;
	[tilespmem:$0x600] =	vst v63  }
0x46: {  	_ = 	snop  }
0x47: {  	[tilespmem:s29], [sflag:$0x1] =	stream.indirect.gather [hbm4b:s10+s19], $0x1, s21, s19, $0xb8;
	[tilespmem:$0x600] =	vst v63  }
0x48: {  	_ =	swait.ge [sflag:s22], $0x20  }
0x49: {  	[sflag:s22] =	ssyncset.done $0x0  }
0x4a: {  	[sflag:s22] =	ssyncadd.s32 $0xFFFFFFE0  }
0x4b: {  	_ =	swait.ge [sflag:s22], $0x20  }
0x4c: {  	[sflag:s22] =	ssyncset.done $0x0  }
0x4d: {  	[sflag:s22] =	ssyncadd.s32 $0xFFFFFFE0  }
0x4e: {  	_ =	swait.ge [sflag:s22], $0x20  }
0x4f: {  	[sflag:s22] =	ssyncset.done $0x0  }
0x50: {  	[sflag:s22] =	ssyncadd.s32 $0xFFFFFFE0  }
0x51: {  	_ =	swait.ge [sflag:s22], $0x20  }
0x52: {  	[sflag:s22] =	ssyncset.done $0x0  }
0x53: {  	[sflag:s22] =	ssyncadd.s32 $0xFFFFFFE0  }
0x54: {  	_ =	swait.ge [sflag:s22], $0x20  }
0x55: {  	[sflag:s22] =	ssyncset.done $0x0  }
0x56: {  	[sflag:s22] =	ssyncadd.s32 $0xFFFFFFE0  }
0x57: {  	_ =	swait.ge [sflag:s22], $0x20  }
0x58: {  	[sflag:s22] =	ssyncset.done $0x0  }
0x59: {  	[sflag:s22] =	ssyncadd.s32 $0xFFFFFFE0  }
0x5a: {  	[hbm4b:s11+s1] =	stream.linear.scatter [tilespmem:s23], [sflag:$0x1], $0x20, $0x38;
	[tilespmem:$0x600] =	vst v63  }
0x5b: {  	_ = 	snop  }
0x5c: {  	[hbm4b:s12+s1] =	stream.linear.scatter [tilespmem:s24], [sflag:$0x1], $0x20, $0x38;
	[tilespmem:$0x600] =	vst v63  }
0x5d: {  	_ = 	snop  }
0x5e: {  	[hbm4b:s13+s1] =	stream.linear.scatter [tilespmem:s25], [sflag:$0x1], $0x20, $0x38;
	[tilespmem:$0x600] =	vst v63  }
0x5f: {  	_ = 	snop  }
0x60: {  	[hbm4b:s14+s1] =	stream.linear.scatter [tilespmem:s26], [sflag:$0x1], $0x20, $0x38;
	[tilespmem:$0x600] =	vst v63  }
0x61: {  	_ = 	snop  }
0x62: {  	[hbm4b:s15+s1] =	stream.linear.scatter [tilespmem:s28], [sflag:$0x1], $0x20, $0x38;
	[tilespmem:$0x600] =	vst v63  }
0x63: {  	_ = 	snop  }
0x64: {  	[hbm4b:s16+s1] =	stream.linear.scatter [tilespmem:s29], [sflag:$0x1], $0x20, $0x38;
	[tilespmem:$0x600] =	vst v63  }
0x65: {  	_ =	swait.ge [sflag:s22], $0x20  }
0x66: {  	[sflag:s22] =	ssyncset.done $0x0  }
0x67: {  	[sflag:s22] =	ssyncadd.s32 $0xFFFFFFE0  }
0x68: {  	_ =	swait.ge [sflag:s22], $0x20  }
0x69: {  	[sflag:s22] =	ssyncset.done $0x0  }
0x6a: {  	[sflag:s22] =	ssyncadd.s32 $0xFFFFFFE0  }
0x6b: {  	_ =	swait.ge [sflag:s22], $0x20  }
0x6c: {  	[sflag:s22] =	ssyncset.done $0x0  }
0x6d: {  	[sflag:s22] =	ssyncadd.s32 $0xFFFFFFE0  }
0x6e: {  	_ =	swait.ge [sflag:s22], $0x20  }
0x6f: {  	[sflag:s22] =	ssyncset.done $0x0  }
0x70: {  	s30 =	sadd.s32 $0x1, s30;
	[sflag:s22] =	ssyncadd.s32 $0xFFFFFFE0  }
0x71: {  	p0 =	sne.s32 s30, s17;
	_ =	swait.ge [sflag:s22], $0x20  }
.Ltmp1:
0x72: {  	[sflag:s22] =	ssyncset.done $0x0;
	(pc) =	sbr.rel @p0 .LBB2_1-.Ltmp1, $4  }
0x73: {  	[sflag:s22] =	ssyncadd.s32 $0xFFFFFFE0  }
0x74: {  	_ =	swait.ge [sflag:s22], $0x20  }
0x75: {  	[sflag:s22] =	ssyncset.done $0x0  }
0x76: {  	[sflag:s22] =	ssyncadd.s32 $0xFFFFFFE0  }
0x77: {  	_ =	sfence.sel $0x180000  }
0x78: {  	[bflag:$0x0] =	sbarrier.arrive $0xFFFF  }
0x79: {  	_ =	strace $0x9000004A  }
0x7a: {  	s0 =	stileid.u32;
	[bflag:$0x2] =	sbarrier.arrive $0xFFFF  }
0x7b: {  	p0 =	sne.s32 s0, $0x0;
	s0 =	rddreg [dreg:$0x2]  }
0x7c: {  	s0 =	sadd.s32 @!p0 $0x100000, s0  }
0x7d: {  	[sflag:s0] =	ssyncadd.tile.s32 @!p0 $0x1;
	_ =	shalt  }
.Lfunc_end2:
_tile_overlayer_lowered:
.L_overlay_start_2:
0x7e: {  	(tag) =	ssettag $0x2  }
0x7f: {  	s0 =	rddreg [dreg:$0x0];
	s2 =	stileid.u32  }
0x80: {  	s1 =	rddreg [dreg:$0x1];
	p0 =	sne.s32 s2, $0x0  }
0x81: {  	s3 =	rddreg [dreg:$0x2];
	[bflag:$0x3] =	sbarrier.arrive $0xFFFF;
	s2 =	simm.s32 @!p0 $0x1C02  }
0x82: {  	[timem:s3], [sflag:s2] =	dma.local @!p0 [hbm:s0], s1  }
0x83: {  	s0 =	simm.s32 @!p0 $0x2  }
0x84: {  	_ =	swait.ge @!p0 [sflag:s0], s1  }
0x85: {  	s1 =	ssub.s32 @!p0 $0x0, s1;
	[sflag:s0] =	ssyncset.done @!p0 $0x0  }
0x86: {  	[sflag:s0] =	ssyncadd.s32 @!p0 s1  }
0x87: {  	[bflag:$0x3] =	sbarrier.arrive $0xFFFF  }
0x88: {  	_ =	shalt  }

// kernel: kernel.7.cloned.1.call-start
scs
__scs_entry_jumppad:
0x0: {  	(pc) =	sbr.rel $0x88, $3  }
0x1: {  	(tag) =	ssettag $0x0;
	lr =	simm.s32 $0x1  }
0x2: {  	[smem:$0x3F97] =	sst lr;
	_ =	strace $0xD0000000  }
0x3: {  	_ = 	snop  }
0x4: {  	_ = 	snop  }
0x5: {  	_ = 	snop  }
0x6: {  	_ = 	snop  }
0x7: {  	_ = 	snop  }
__scs_overlays_trampoline_lowered:
0x8: {  	[smem:$0x3FA6] =	sst s0  }
0x9: {  	[smem:$0x3FA7] =	sst s1  }
0xa: {  	[smem:$0x3FA8] =	sst s2  }
0xb: {  	[smem:$0x3FA9] =	sst s3  }
0xc: {  	[smem:$0x3FAA] =	sst s4  }
0xd: {  	[smem:$0x3FAB] =	sst s5  }
0xe: {  	[smem:$0x3FAC] =	sst s6  }
0xf: {  	[smem:$0x3FAD] =	sst s7  }
0x10: {  	[smem:$0x3FAE] =	sst s8  }
0x11: {  	[smem:$0x3FAF] =	sst s9;
	s0 =	simm.s32 @!p0 $0x0  }
0x12: {  	s1 =	sld [smem:$0x3F95];
	s0 =	simm.s32 @p0 $0x1  }
0x13: {  	[smem:$0x3FB0] =	sst s0;
	s0 =	simm.s32 @!p1 $0x0  }
0x14: {  	s2 =	sld [smem:$0x3F94];
	s0 =	simm.s32 @p1 $0x1  }
0x15: {  	[smem:$0x3FB1] =	sst s0;
	s0 =	simm.s32 @!p2 $0x0  }
0x16: {  	s3 =	sld [smem:$0x3FDB];
	s0 =	simm.s32 @p2 $0x1  }
0x17: {  	s4 =	simm.s32 $0x1BF5;
	[smem:$0x3FB3] =	sst s0  }
0x18: {  	s0 =	sld [smem:$0x3F96];
	_ =	swait.ge [sflag:s4], $0x0  }
0x19: {  	s7 =	sld [smem:$0x3F97]  }
0x1a: {  	s8 =	sadd.s32 $0xFFFFE003, lr  }
0x1b: {  	s9 =	sadd.s32 $0xFFFFFEF7, lr;
	s5 =	simm.s32 $0xFFFFFFFF;
	p2 =	slt.u32 s8, $0xFFFFF086  }
0x1c: {  	p1 =	slt.u32 s9, $0xF7A;
	s5 =	simm.s32 @!p2 $0x0  }
0x1d: {  	s5 =	simm.s32 @p1 $0x1;
	p0 =	seq.s32 s7, s2  }
0x1e: {  	s7 =	smul.u32 @!p0 $0xF7A, s2;
	p2 =	seq.s32 @!p0 s5, $0x0  }
0x1f: {  	s9 =	smul.u32 $0xF7A, s1;
	s8 =	simm.s32 @!p0 $0x1BF5;
	p2 =	por !p2, p0  }
0x20: {  	[sflag:s8] =	ssyncset.s32 @!p0 $0xFFFFF086;
	s6 =	sadd.s32 @!p0 s3, s7;
	s7 =	simm.s32 @!p0 $0x108  }
0x21: {  	s3 =	sadd.s32 s3, s9;
	s6 =	sadd.s32 @!p0 $0x88, s6;
	s7 =	simm.s32 @p2 $0x1082  }
0x22: {  	[simem:s7], [sflag:s8] =	dma.local @!p0 [hbm:s6], $0xF7A  }
0x23: {  	s9 =	sor.u32 $0xD0000000, s2;
	s6 =	simm.s32 $0x108;
	_ =	swait.ge @!p0 [sflag:s8], $0x0  }
0x24: {  	s3 =	sadd.s32 $0x88, s3;
	s6 =	simm.s32 @!p1 $0x1082;
	[sflag:s4] =	ssyncset.s32 $0xFFFFF086  }
0x25: {  	[simem:s6], [sflag:s4] =	dma.local [hbm:s3], $0xF7A  }
0x26: {  	[smem:$0x3F97] =	sst s1;
	(tag) =	ssettag s2;
	_ =	strace s9  }
0x27: {  	s1 =	sld [smem:$0x3FA7]  }
0x28: {  	s2 =	sld [smem:$0x3FA8]  }
0x29: {  	s4 =	sld [smem:$0x3FAA]  }
0x2a: {  	p0 =	seq.s32 s5, $0x0;
	s5 =	sld [smem:$0x3FAB]  }
0x2b: {  	s6 =	sld [smem:$0x3FAC]  }
0x2c: {  	s7 =	sld [smem:$0x3FAD]  }
0x2d: {  	s3 =	simm.s32 $0x108;
	s8 =	sld [smem:$0x3FAE]  }
0x2e: {  	s3 =	simm.s32 @!p0 $0x1082;
	s9 =	sld [smem:$0x3FAF]  }
0x2f: {  	lr =	sadd.s32 s0, s3;
	s0 =	sld [smem:$0x3FA6]  }
0x30: {  	s3 =	sld [smem:$0x3FA9]  }
0x31: {  	[smem:$0x3FB2] =	sst s10  }
0x32: {  	s10 =	sld [smem:$0x3FB0];
	_ =	sdelay $0x3  }
0x33: {  	p0 =	seq.s32 s10, $0x1;
	s10 =	sld [smem:$0x3FB2];
	_ =	sdelay $0x3  }
0x34: {  	[smem:$0x3FB2] =	sst s10  }
0x35: {  	s10 =	sld [smem:$0x3FB1];
	_ =	sdelay $0x3  }
0x36: {  	p1 =	seq.s32 s10, $0x1;
	s10 =	sld [smem:$0x3FB2];
	_ =	sdelay $0x3  }
0x37: {  	[smem:$0x3FB2] =	sst s10  }
0x38: {  	s10 =	sld [smem:$0x3FB3]  }
0x39: {  	_ = 	snop;
	(pc) =	sbr.ind lr, $3  }
0x3a: {  	_ = 	snop  }
0x3b: {  	_ = 	snop  }
0x3c: {  	p2 =	seq.s32 s10, $0x1;
	s10 =	sld [smem:$0x3FB2]  }
0x3d: {  	_ =	shalt  }
0x3e: {  	_ =	shalt  }
0x3f: {  	_ =	shalt  }
0x40: {  	_ =	shalt  }
0x41: {  	_ =	shalt  }
0x42: {  	_ =	shalt  }
0x43: {  	_ =	shalt  }
0x44: {  	_ =	shalt  }
0x45: {  	_ =	shalt  }
0x46: {  	_ =	shalt  }
0x47: {  	_ =	shalt  }
0x48: {  	_ =	shalt  }
0x49: {  	_ =	shalt  }
0x4a: {  	_ =	shalt  }
0x4b: {  	_ =	shalt  }
0x4c: {  	_ =	shalt  }
0x4d: {  	_ =	shalt  }
0x4e: {  	_ =	shalt  }
0x4f: {  	_ =	shalt  }
0x50: {  	_ =	shalt  }
0x51: {  	_ =	shalt  }
0x52: {  	_ =	shalt  }
0x53: {  	_ =	shalt  }
0x54: {  	_ =	shalt  }
0x55: {  	_ =	shalt  }
0x56: {  	_ =	shalt  }
0x57: {  	_ =	shalt  }
0x58: {  	_ =	shalt  }
0x59: {  	_ =	shalt  }
0x5a: {  	_ =	shalt  }
0x5b: {  	_ =	shalt  }
0x5c: {  	_ =	shalt  }
0x5d: {  	_ =	shalt  }
0x5e: {  	_ =	shalt  }
0x5f: {  	_ =	shalt  }
0x60: {  	_ =	shalt  }
0x61: {  	_ =	shalt  }
0x62: {  	_ =	shalt  }
0x63: {  	_ =	shalt  }
0x64: {  	_ =	shalt  }
0x65: {  	_ =	shalt  }
0x66: {  	_ =	shalt  }
0x67: {  	_ =	shalt  }
0x68: {  	_ =	shalt  }
0x69: {  	_ =	shalt  }
0x6a: {  	_ =	shalt  }
0x6b: {  	_ =	shalt  }
0x6c: {  	_ =	shalt  }
0x6d: {  	_ =	shalt  }
0x6e: {  	_ =	shalt  }
0x6f: {  	_ =	shalt  }
0x70: {  	_ =	shalt  }
0x71: {  	_ =	shalt  }
0x72: {  	_ =	shalt  }
0x73: {  	_ =	shalt  }
0x74: {  	_ =	shalt  }
0x75: {  	_ =	shalt  }
0x76: {  	_ =	shalt  }
0x77: {  	_ =	shalt  }
0x78: {  	_ =	shalt  }
0x79: {  	_ =	shalt  }
0x7a: {  	_ =	shalt  }
0x7b: {  	_ =	shalt  }
0x7c: {  	_ =	shalt  }
0x7d: {  	_ =	shalt  }
0x7e: {  	_ =	shalt  }
0x7f: {  	_ =	shalt  }
0x80: {  	_ =	shalt  }
0x81: {  	_ =	shalt  }
0x82: {  	_ =	shalt  }
0x83: {  	_ =	shalt  }
0x84: {  	_ =	shalt  }
0x85: {  	_ =	shalt  }
0x86: {  	_ =	shalt  }
0x87: {  	_ =	shalt  }
.Lfunc_end0:
.L_simem_size_0:
called_computation_lowered:
.L_overlay_start_0:
0x88: {  	s2 =	sld [smem:$0x3FD9]  }
0x89: {  	s3 =	sld [smem:$0x3FFE];
	_ =	sdelay $0x1  }
0x8a: {  	s1 =	srdreg.scid  }
0x8b: {  	s0 =	sand.u32 $0x1, s1  }
0x8c: {  	s14 =	sshll.u32 s0, $0xA;
	s2 =	sadd.s32 s3, s2  }
0x8d: {  	s2 =	sadd.s32 s2, s14  }
0x8e: {  	[smem:$0x3FBE] =	sst s2  }
0x8f: {  	_ = 	snop  }
0x90: {  	s2 =	sld [smem:$0x3FD0];
	_ =	sdelay $0x2  }
0x91: {  	s15 =	simm.s32 $0xA;
	s4 =	simm.s32 $0x10  }
0x92: {  	[smem:s4], [sflag:s15] =	dma.local [hbm:s2], $0x1  }
0x93: {  	_ =	swait.eq [sflag:s15], $0x1  }
0x94: {  	[sflag:s15] =	ssyncset.done $0x0  }
0x95: {  	s16 =	sld [smem:$0x10];
	[sflag:s15] =	ssyncadd.s32 $0xFFFFFFFF  }
0x96: {  	s17 =	sld [smem:$0x11];
	(tm) =	ssettm $0x1  }
0x97: {  	s18 =	sld [smem:$0x3FFB];
	_ =	sdelay $0x3  }
0x98: {  	_ =	strace s18  }
0x99: {  	s4 =	sld [smem:$0x3FFC];
	_ =	sdelay $0x3  }
0x9a: {  	_ =	strace s4  }
0x9b: {  	s4 =	sld [smem:$0x3FFD];
	_ =	sdelay $0x3  }
0x9c: {  	_ =	strace s4  }
0x9d: {  	_ =	strace $0x8FFFFFFF  }
0x9e: {  	s19 =	sld [smem:$0x3FDB];
	_ =	sdelay $0x1  }
0x9f: {  	s5 =	simm.s32 $_scs_section_size  }
0xa0: {  	s6 =	simm.s32 $_size__tile_overlayer_lowered;
	s7 =	simm.s32 $_tile_overlayer_lowered  }
0xa1: {  	s22 =	simm.s32 $0x1BFF;
	s21 =	sshll.u32 s7, $0x1;
	s4 =	sadd.s32 s5, s19  }
0xa2: {  	s8 =	simm.s32 $0x0;
	s20 =	sshll.u32 s6, $0x1;
	s6 =	sadd.s32 s21, s4  }
0xa3: {  	[timem:s8], [sflag:s22] =	dma.local [hbm:s6], s20  }
0xa4: {  	_ =	swait.ge [sflag:s22], s20  }
0xa5: {  	s5 =	ssub.s32 $0x0, s20;
	[sflag:s22] =	ssyncset.done $0x0  }
0xa6: {  	[sflag:s22] =	ssyncadd.s32 s5;
	_ =	sdelay $0x1  }
0xa7: {  	s23 =	simm.s32 $0x1B8B  }
0xa8: {  	_ =	swait.ge [sflag:s23], $0x1  }
0xa9: {  	[sflag:s23] =	ssyncset.done $0x0  }
0xaa: {  	s25 =	simm.s32 $0x1B8E;
	s24 =	sld [smem:$0x3FFE];
	[sflag:s23] =	ssyncadd.s32 $0xFFFFFFFF  }
0xab: {  	s26 =	simm.s32 $execute0_lowered;
	[smem:$0x3FD2] =	sst s25  }
0xac: {  	s6 =	sshll.u32 s26, $0x1;
	_ =	strace $0x80000046;
	[dreg:$0x1] =	wrdreg $0xFFFFFFFF  }
0xad: {  	s28 =	simm.s32 $_size_execute0_lowered;
	s4 =	sadd.s32 s4, s6;
	[dreg:$0x0] =	wrdreg $0x0  }
0xae: {  	s6 =	sshll.u32 s28, $0x1;
	[dreg:$0x2] =	wrdreg s4  }
0xaf: {  	[dreg:$0x3] =	wrdreg s6  }
0xb0: {  	[dreg:$0x4] =	wrdreg $0xC0  }
0xb1: {  	_ =	task [dreg:s8], $0x5FFFF  }
0xb2: {  	[dreg:$0x1] =	wrdreg $0xFFFFFFFF  }
0xb3: {  	[dreg:$0x0] =	wrdreg $0x60  }
0xb4: {  	[dreg:$0x2] =	wrdreg s24  }
0xb5: {  	[dreg:$0x3] =	wrdreg s17  }
0xb6: {  	[dreg:$0x4] =	wrdreg s16  }
0xb7: {  	[dreg:$0x5] =	wrdreg $0x9  }
0xb8: {  	_ =	task.clear_ibuf [dreg:s8], $0x6FFFF;
	_ =	strace $0x90000046  }
0xb9: {  	s29 =	simm.s32 $0x9;
	_ =	strace $0x80000048  }
0xba: {  	_ =	swait.ge [sflag:s29], $0x1  }
0xbb: {  	[sflag:s29] =	ssyncadd.s32 $0xFFFFFFFF  }
0xbc: {  	_ =	strace $0x90000048  }
0xbd: {  	_ =	sfence  }
0xbe: {  	s30 =	sld [smem:$0x0];
	_ =	sdelay $0x2  }
0xbf: {  	s31 =	sshll.u32 s1, $0xD;
	s1 =	sshrl.u32 s1, $0x2  }
0xc0: {  	s3 =	sand.u32 $0x4000, s31;
	s1 =	sadd.s32 s1, s30  }
0xc1: {  	s0 =	sor.u32 s3, s0;
	s1 =	sshll.u32 s1, $0x11  }
0xc2: {  	s0 =	sor.u32 s1, s0  }
0xc3: {  	s0 =	sadd.s32 $0x8F2B, s0  }
0xc4: {  	[sflag:s0] =	ssyncadd.remote.s32 $0x1  }
0xc5: {  	_ =	sfence.sel $0xFFFF  }
0xc6: {  	[dreg:$0x0] =	wrdreg $0xFFFFFFFF;
	(pc) =	sbr.abs _section_cstart, $3  }
0xc7: {  	[dreg:$0x1] =	wrdreg $0xFFFFFFFF  }
0xc8: {  	_ =	task.clear_ibuf [dreg:s8], $0x2FFFF;
	_ =	strace $0x9FFFFFFF  }
0xc9: {  	(tm) =	ssettm $0x7FFFFFFF  }
tec
execute0_lowered:
.L_overlay_start_1:
0x0: {  	(tag) =	ssettag $0x1  }
0x1: {  	s5 =	rddreg [dreg:$0x0]  }
0x2: {  	s1 =	srdreg.scid;
	s2 =	rddreg [dreg:$0x1]  }
0x3: {  	s0 =	stileid.u32;
	s3 =	rddreg [dreg:$0x2]  }
0x4: {  	s4 =	simm.s32 $0x0;
	s14 =	simm.s32 $0x0;
	s6 =	sand.u32 $0x1, s1  }
0x5: {  	s28 =	sshll.u32 s0, $0x1;
	s1 =	rddreg [dreg:$0x3];
	s31 =	smul.u32 $0x500, s0  }
0x6: {  	[smem:$0x7FF] =	sst s4;
	s7 =	sor.u32 s6, s28;
	s13 =	smul.u32 $0x280, s6  }
0x7: {  	_ =	strace $0x80000047;
	s11 =	ssub.s32 $0x2, s6;
	s8 =	smul.u32 $0x280, s7  }
0x8: {  	s9 =	smul.u32 $0x52, s7;
	s10 =	sshll.u32 s7, $0x1;
	s30 =	sshrl.u32 s11, $0x1  }
0x9: {  	s12 =	smul.u32 $0x5, s7;
	s29 =	sadd.s32 s10, s5;
	s11 =	ssub.s32 s11, s30  }
0xa: {  	s10 =	simm.s32 $0x1;
	s8 =	sshrl.u32 s8, $0x3;
	s9 =	sadd.s32 s9, s5  }
0xb: {  	s6 =	sadd.s32 $0x8C00, s29;
	v0 =	vmov s12;
	s12 =	simm.s32 $0x700;
	s8 =	sadd.s32 s8, s5  }
0xc: {  	s7 =	sadd.s32 $0x8000, s9;
	s9 =	sadd.s32 s13, s31;
	s13 =	simm.s32 $0x400  }
0xd: {  	v1 =	vlaneseq.u32;
	v2 =	vimm.s32 $0x0;
	s5 =	sadd.s32 $0x5800, s8;
	s8 =	smax.u32 s11, $0x1;
	s11 =	simm.s32 $0x280  }
.LBB2_1:
0xe: {  	[tilespmem:s4], [sflag:$0x1] =	stream.linear.gather [hbm4b:s5+s4], $0x280, $0x38;
	[tilespmem:$0x780] =	vst v63  }
0xf: {  	_ =	swait.ge [sflag:s10], $0x280  }
0x10: {  	[sflag:s10] =	ssyncset.done $0x0  }
0x11: {  	[sflag:s10] =	ssyncadd.s32 $0xFFFFFD80  }
0x12: {  	[tilespmem:s11], [sflag:$0x1] =	stream.linear.gather [hbm4b:s2+s4], $0x80, $0x38;
	[tilespmem:$0x780] =	vst v63  }
0x13: {  	_ =	swait.ge [sflag:s10], $0x80  }
0x14: {  	[sflag:s10] =	ssyncset.done $0x0  }
0x15: {  	s15 =	simm.s32 $0x300;
	[sflag:s10] =	ssyncadd.s32 $0xFFFFFF80  }
0x16: {  	[tilespmem:s15], [sflag:$0x1] =	stream.linear.gather [hbm4b:s3+s4], $0x100, $0x38;
	[tilespmem:$0x780] =	vst v63  }
0x17: {  	_ =	swait.ge [sflag:s10], $0x100  }
0x18: {  	[sflag:s10] =	ssyncset.done $0x0  }
0x19: {  	[sflag:s10] =	ssyncadd.s32 $0xFFFFFF00  }
0x1a: {  	v3 =	vld [tilespmem:s15+$0x0];
	_ =	sdelay $0x2  }
0x1b: {  	v4 =	vor.u32 s4, v1  }
0x1c: {  	vm0 =	vlt.u32 v4, v0  }
0x1d: {  	s16 =	simm.s32 $0x310;
	v4 =	vld [tilespmem:$0x280];
	s15 =	simm.s32 $0x10;
	v5 =	vnsel vm0, $0x0, v3;
	v3 =	vimm.s32 $0x0  }
.LBB2_2:
0x1e: {  	v6 =	vld [tilespmem:s16+$0x0];
	p0 =	sne.s32 s15, $0x90;
	v3 =	vadd.s32 v3, v5;
	s17 =	smov.u32 s15;
	s15 =	sadd.s32 $0x10, s15  }
.Ltmp0:
0x1f: {  	(pc) =	sbr.rel @p0 .LBB2_2-.Ltmp0, $4  }
0x20: {  	_ = 	snop  }
0x21: {  	v5 =	vor.u32 s17, v1  }
0x22: {  	vm0 =	vlt.u32 v5, v0  }
0x23: {  	s16 =	sadd.s32 $0x10, s16;
	v5 =	vnsel vm0, $0x0, v6  }
0x24: {  	v3 =	vadd.s32 v3, v5  }
0x25: {  	(xrf0) =	vadd.scan.msk.s32 $0xffff, v3;
	_ =	sdelay $0x5  }
0x26: {  	v3, _, _ =	vpop (xrf0)  }
0x27: {  	s15 =	simm.s32 $0x0;
	(v2sf) =	vpush v3, $0xF  }
0x28: {  	v5 =	vld [tilespmem:s15+$0x0];
	_ =	sdelay $0x2  }
0x29: {  	v3 =	vbroadcast v4, $0x0;
	_ =	sdelay $0x1  }
0x2a: {  	vm0 =	veq.s32 v5, v3  }
0x2b: {  	v6 =	vsel vm0, $0x1, v2  }
0x2c: {  	(xrf0) =	vadd.scan.msk.s32 $0xffff, v6;
	_ =	sdelay $0x5  }
0x2d: {  	v6, _, _ =	vpop (xrf0)  }
0x2e: {  	v4 =	vbroadcast v4, $0x2;
	v7 =	vxor.u32 $0x80000000, v6;
	s29 =	spop (v2sf)  }
0x2f: {  	(xrf0) =	vmax.scan.msk.u32 $0xffff, v7;
	v6 =	vadd.s32 s29, v6  }
0x30: {  	vm1 =	vle.s32 v6, v4  }
0x31: {  	vm2 =	vgt.s32 v5, v3;
	vm0 =	vmand vm0, vm1  }
0x32: {  	vm0 =	vmor vm2, vm0  }
0x33: {  	v5 =	vmpcnt.ones.xlane vm0;
	_ =	sdelay $0x1  }
0x34: {  	v6, _, _ =	vpop (xrf0);
	v5 =	vxor.u32 $0x80000000, v5  }
0x35: {  	(v2sf) =	vpush v6, $0xF;
	(xrf0) =	vmax.scan.msk.u32 $0xffff, v5;
	_ =	sdelay $0x1  }
0x36: {  	s16 =	simm.s32 $0x0;
	v5 =	vor.u32 s9, v1  }
0x37: {  	s30 =	simm.s32 $0x10;
	[tilespmem:s16+$0x400] =	vst.msk vm0, v5  }
0x38: {  	v5 =	vld [tilespmem:s30+$0x0];
	_ =	sdelay $0x1  }
0x39: {  	v6, _, _ =	vpop (xrf0)  }
0x3a: {  	(v2sf) =	vpush v6, $0xF;
	_ =	sdelay $0x1  }
0x3b: {  	vm0 =	veq.s32 v5, v3  }
0x3c: {  	v6 =	vsel vm0, $0x1, v2  }
0x3d: {  	(xrf0) =	vadd.scan.msk.s32 $0xffff, v6;
	_ =	sdelay $0x3  }
0x3e: {  	s31 =	spop (v2sf)  }
0x3f: {  	s15 =	sadd.s32 s31, s29  }
0x40: {  	s15 =	sadd.s32 $0x80000000, s15;
	v6, _, _ =	vpop (xrf0)  }
0x41: {  	v7 =	vadd.s32 s15, v6;
	v6 =	vxor.u32 $0x80000000, v6  }
0x42: {  	(xrf0) =	vmax.scan.msk.u32 $0xffff, v6  }
0x43: {  	vm1 =	vle.s32 v7, v4  }
0x44: {  	vm2 =	vgt.s32 v5, v3;
	vm0 =	vmand vm0, vm1  }
0x45: {  	s17 =	sadd.s32 $0x10, s9;
	vm0 =	vmor vm2, vm0;
	s18 =	spop (v2sf)  }
0x46: {  	s16 =	simm.s32 $0x80;
	v5 =	vor.u32 s17, v1;
	s17 =	sadd.s32 $0x10, s17;
	v6 =	vmpcnt.ones.xlane vm0;
	s18 =	sadd.s32 $0x0, s18  }
.LBB2_4:
0x47: {  	p0 =	sne.s32 s16, $0x9C0  }
0x48: {  	v7 =	vor.u32 s17, v1;
	v6 =	vxor.u32 $0x80000000, v6;
	v8, _, _ =	vpop (xrf0);
	s18 =	sadd.s32 $0x80000000, s18;
	s19 =	smov.u32 s16;
	s16 =	sadd.s32 $0x40, s16  }
0x49: {  	[tilespmem:s18+$0x400] =	vst.msk vm0, v5;
	(xrf0) =	vmax.scan.msk.u32 $0xffff, v6;
	(v2sf) =	vpush v8, $0xF;
	v5 =	vmov v7;
	_ =	sdelay $0x1  }
0x4a: {  	s19 =	sshra.s32 s19, $0x2  }
0x4b: {  	v6 =	vld [tilespmem:s19+$0x0];
	_ =	sdelay $0x2  }
0x4c: {  	v7, _, _ =	vpop (xrf0)  }
0x4d: {  	(v2sf) =	vpush v7, $0xF  }
0x4e: {  	vm0 =	veq.s32 v6, v3  }
0x4f: {  	v7 =	vsel vm0, $0x1, v2  }
0x50: {  	(xrf0) =	vadd.scan.msk.s32 $0xffff, v7;
	_ =	sdelay $0x4  }
0x51: {  	s19 =	spop (v2sf)  }
0x52: {  	v7, _, _ =	vpop (xrf0);
	s15 =	sadd.s32 s19, s15  }
0x53: {  	v8 =	vxor.u32 $0x80000000, v7;
	s15 =	sadd.s32 $0x80000000, s15  }
0x54: {  	v7 =	vadd.s32 s15, v7;
	(xrf0) =	vmax.scan.msk.u32 $0xffff, v8  }
.Ltmp1:
0x55: {  	vm1 =	vle.s32 v7, v4;
	(pc) =	sbr.rel @p0 .LBB2_4-.Ltmp1, $4  }
0x56: {  	vm2 =	vgt.s32 v6, v3;
	vm0 =	vmand vm0, vm1  }
0x57: {  	vm0 =	vmor vm2, vm0  }
0x58: {  	v6 =	vmpcnt.ones.xlane vm0;
	s19 =	spop (v2sf)  }
0x59: {  	s17 =	sadd.s32 $0x10, s17;
	s18 =	sadd.s32 s19, s18  }
0x5a: {  	v3 =	vxor.u32 $0x80000000, v6  }
0x5b: {  	(xrf0) =	vmax.scan.msk.u32 $0xffff, v3;
	_ =	sdelay $0x4  }
0x5c: {  	v3, _, _ =	vpop (xrf0)  }
0x5d: {  	(v2sf) =	vpush v3, $0xF;
	v3, _, _ =	vpop (xrf0)  }
0x5e: {  	(v2sf) =	vpush v3, $0xF;
	_ =	sdelay $0xd  }
0x5f: {  	s15 =	spop (v2sf)  }
0x60: {  	s15 =	sadd.s32 $0x80000000, s18;
	s16 =	spop (v2sf)  }
0x61: {  	s16 =	sadd.s32 s16, s15  }
0x62: {  	s16 =	sadd.s32 $0x80000000, s16  }
0x63: {  	[tilespmem:s15+$0x400] =	vst.msk vm0, v5;
	v3 =	vmov s16  }
0x64: {  	[tilespmem:$0x700] =	vst v3  }
0x65: {  	[hbm4b:s6+s4] =	stream.linear.scatter [tilespmem:s12], [sflag:$0x1], $0x10, $0x38;
	[tilespmem:$0x780] =	vst v63  }
0x66: {  	s14 =	sadd.s32 $0x1, s14;
	_ =	swait.ge [sflag:s10], $0x10  }
0x67: {  	p0 =	sne.s32 s14, s8;
	[sflag:s10] =	ssyncset.done $0x0  }
.Ltmp2:
0x68: {  	[sflag:s10] =	ssyncadd.s32 $0xFFFFFFF0;
	(pc) =	sbr.rel @p0 .LBB2_1-.Ltmp2, $4  }
0x69: {  	[hbm4b:s7+s4] =	stream.linear.scatter [tilespmem:s13], [sflag:$0x1], $0x290, $0x38;
	[tilespmem:$0x780] =	vst v63  }
0x6a: {  	_ =	swait.ge [sflag:s10], $0x290  }
0x6b: {  	[sflag:s10] =	ssyncset.done $0x0  }
0x6c: {  	[sflag:s10] =	ssyncadd.s32 $0xFFFFFD70  }
0x6d: {  	_ =	sfence.sel $0x180000  }
0x6e: {  	[bflag:$0x0] =	sbarrier.arrive $0xFFFF  }
0x6f: {  	p0 =	sne.s32 s0, $0x0;
	_ =	strace $0x90000047  }
0x70: {  	s0 =	sadd.s32 @!p0 $0x100000, s1;
	[bflag:$0x2] =	sbarrier.arrive $0xFFFF  }
0x71: {  	[sflag:s0] =	ssyncadd.tile.s32 @!p0 $0x1;
	_ =	shalt  }
.Lfunc_end2:
_tile_overlayer_lowered:
.L_overlay_start_2:
0x72: {  	(tag) =	ssettag $0x2  }
0x73: {  	s0 =	rddreg [dreg:$0x0];
	s2 =	stileid.u32  }
0x74: {  	s1 =	rddreg [dreg:$0x1];
	p0 =	sne.s32 s2, $0x0  }
0x75: {  	s3 =	rddreg [dreg:$0x2];
	[bflag:$0x3] =	sbarrier.arrive $0xFFFF;
	s2 =	simm.s32 @!p0 $0x1C01  }
0x76: {  	[timem:s3], [sflag:s2] =	dma.local @!p0 [hbm:s0], s1  }
0x77: {  	s0 =	simm.s32 @!p0 $0x1  }
0x78: {  	_ =	swait.ge @!p0 [sflag:s0], s1  }
0x79: {  	s1 =	ssub.s32 @!p0 $0x0, s1;
	[sflag:s0] =	ssyncset.done @!p0 $0x0  }
0x7a: {  	[sflag:s0] =	ssyncadd.s32 @!p0 s1  }
0x7b: {  	[bflag:$0x3] =	sbarrier.arrive $0xFFFF  }
0x7c: {  	_ =	shalt  }

</sc_bundles>
